<compile_context>
chip_gen: v7x
topology: tpu7x:2x2x1
jax: 0.10.2.dev20260603
libtpu: 0.0.44.dev20260713+nightly
codegen_flags: <defaults>
</compile_context>

<pallas_src>
import functools

import jax
import jax.numpy as jnp
from jax import lax
from jax.experimental import pallas as pl
from jax.experimental.pallas import tpu as pltpu
from jax.experimental.pallas import tpu_sc as plsc

N = 10000
NP = 10240
NT = N + 16
E = 320000
D = 128
HID = 256

NC = 2
NS = 16
NW = NC * NS

CHUNK = 128
CPW = 79
NCHUNK = NW * CPW
EP = NCHUNK * CHUNK

B = 1024
NB = EP // B

RPT = NP // NS


def _leaky(x):
    return jnp.where(x >= 0, x, 0.01 * x)


def _rows_to_col(r2d):
    nb, c = r2d.shape
    b = nb * c
    rb = jnp.broadcast_to(r2d.reshape(nb, 1, c), (nb, c, c)).reshape(b, c)
    sub = lax.broadcasted_iota(jnp.int32, (b, c), 0)
    lane = lax.broadcasted_iota(jnp.int32, (b, c), 1)
    sel = (lane == sub % c).astype(jnp.float32)
    return jnp.dot(rb * sel, jnp.ones((c, 1), jnp.float32),
                   preferred_element_type=jnp.float32)


def _sc_mesh():
    return plsc.VectorSubcoreMesh(core_axis_name="c", subcore_axis_name="s",
                                  num_cores=NC, num_subcores=NS)


def _sc_gather(x, w, si, ni):

    @functools.partial(
        pl.kernel,
        out_type=(jax.ShapeDtypeStruct((NCHUNK, 2, CHUNK, D), jnp.float32),
                  jax.ShapeDtypeStruct((NCHUNK, CHUNK), jnp.float32)),
        mesh=_sc_mesh(),
        scratch_types=[
            pltpu.VMEM((CPW, CHUNK), jnp.int32),
            pltpu.VMEM((CPW, CHUNK), jnp.int32),
            pltpu.VMEM((CPW, CHUNK), jnp.float32),
            pltpu.VMEM((2, CHUNK, D), jnp.float32),
            pltpu.VMEM((2, CHUNK, D), jnp.float32),
            pltpu.SemaphoreType.DMA,
            pltpu.SemaphoreType.DMA,
            pltpu.SemaphoreType.DMA,
            pltpu.SemaphoreType.DMA,
        ],
        compiler_params=pltpu.CompilerParams(use_tc_tiling_on_sc=False),
    )
    def k(x_hbm, w_hbm, si_hbm, ni_hbm, fsn_hbm, wn_hbm,
          sib, nib, wnb, rsn0, rsn1, sg0, sg1, so0, so1):
        wid = lax.axis_index("s") * NC + lax.axis_index("c")
        base = wid * CPW
        pltpu.sync_copy(si_hbm.at[pl.ds(base, CPW)], sib)
        pltpu.sync_copy(ni_hbm.at[pl.ds(base, CPW)], nib)

        sets = ((rsn0, sg0, so0), (rsn1, sg1, so1))

        def start(j, st):
            rsn, sg, _ = st
            pltpu.async_copy(x_hbm.at[sib.at[j]], rsn.at[0], sg)
            pltpu.async_copy(x_hbm.at[nib.at[j]], rsn.at[1], sg)
            pltpu.async_copy(w_hbm.at[nib.at[j]], wnb.at[j], sg)

        def finish(j, st):
            rsn, sg, so = st
            pltpu.make_async_copy(x_hbm.at[sib.at[j]], rsn.at[0], sg).wait()
            pltpu.make_async_copy(x_hbm.at[nib.at[j]], rsn.at[1], sg).wait()
            pltpu.make_async_copy(w_hbm.at[nib.at[j]], wnb.at[j], sg).wait()
            pltpu.async_copy(rsn, fsn_hbm.at[base + j], so)

        start(0, sets[0])

        def chunk_body(j, _):
            for par in (0, 1):
                @pl.when(j % 2 == par)
                def _():
                    @pl.when(j >= 1)
                    def _():
                        rsn_o, _sg_o, so_o = sets[1 - par]
                        pltpu.make_async_copy(
                            rsn_o, fsn_hbm.at[base + j - 1], so_o).wait()

                    @pl.when(j + 1 < CPW)
                    def _():
                        start(j + 1, sets[1 - par])

                    finish(j, sets[par])

            return _

        lax.fori_loop(0, CPW, chunk_body, None)
        pltpu.make_async_copy(rsn0, fsn_hbm.at[base + CPW - 1], so0).wait()
        pltpu.sync_copy(wnb, wn_hbm.at[pl.ds(base, CPW)])

    return k(x, w, si, ni)


def _tc_mlp(fsn, wn, w0g, b0g, w1g, b1g, w0m, b0m, w1m, b1m):
    def body(fsn_r, wn_r, w0g_r, b0g_r, w1g_r, b1g_r,
             w0m_r, b0m_r, w1m_r, b1m_r, g_out, e_out):
        blk = fsn_r[...]
        fs_b = blk[:, 0].reshape(B, D)
        fn_b = blk[:, 1].reshape(B, D)
        fea = jnp.concatenate(
            [fs_b.astype(jnp.bfloat16), fn_b.astype(jnp.bfloat16)],
            axis=1)
        hg = _leaky(jnp.dot(fea, w0g_r[...], preferred_element_type=jnp.float32)
                    + b0g_r[...]).astype(jnp.bfloat16)
        g = jnp.dot(hg, w1g_r[...], preferred_element_type=jnp.float32) + b1g_r[...]
        wn_col = _rows_to_col(wn_r[...].reshape(B // CHUNK, CHUNK))
        e = wn_col * jnp.exp(g)
        hm = _leaky(jnp.dot(fea, w0m_r[...], preferred_element_type=jnp.float32)
                    + b0m_r[...]).astype(jnp.bfloat16)
        msg = jnp.dot(hm, w1m_r[...], preferred_element_type=jnp.float32) + b1m_r[...]
        g_out[...] = e * msg
        e_out[...] = e.reshape(B // CHUNK, CHUNK).reshape(1, B // CHUNK, CHUNK)

    full = lambda s: pl.BlockSpec(s, lambda i: (0,) * len(s))
    return pl.pallas_call(
        body,
        grid=(NB,),
        in_specs=[
            pl.BlockSpec((B // CHUNK, 2, CHUNK, D), lambda i: (i, 0, 0, 0)),
            pl.BlockSpec((1, B // CHUNK, CHUNK), lambda i: (i, 0, 0)),
            full((2 * D, HID)), full((1, HID)), full((HID, 1)), full((1, 1)),
            full((2 * D, HID)), full((1, HID)), full((HID, D)), full((1, D)),
        ],
        out_specs=[
            pl.BlockSpec((B, D), lambda i: (i, 0)),
            pl.BlockSpec((1, B // CHUNK, CHUNK), lambda i: (i, 0, 0)),
        ],
        out_shape=[
            jax.ShapeDtypeStruct((EP, D), jnp.float32),
            jax.ShapeDtypeStruct((NB, B // CHUNK, CHUNK), jnp.float32),
        ],
    )(fsn, wn, w0g, b0g, w1g, b1g, w0m, b0m, w1m, b1m)


def _sc_scatter(g3, e2, si, zg, ze):

    @functools.partial(
        pl.kernel,
        out_type=(jax.ShapeDtypeStruct((NC * NP, D), jnp.float32),
                  jax.ShapeDtypeStruct((NC * NP,), jnp.float32)),
        mesh=_sc_mesh(),
        scratch_types=[
            pltpu.VMEM_SHARED((NP, D), jnp.float32),
            pltpu.VMEM_SHARED((NP,), jnp.float32),
            pltpu.VMEM((CHUNK,), jnp.int32),
            pltpu.VMEM((CHUNK,), jnp.int32),
            pltpu.VMEM((CHUNK, D), jnp.float32),
            pltpu.VMEM((CHUNK, D), jnp.float32),
            pltpu.VMEM((CHUNK,), jnp.float32),
            pltpu.VMEM((CHUNK,), jnp.float32),
            pltpu.SemaphoreType.DMA,
            pltpu.SemaphoreType.DMA,
        ],
        compiler_params=pltpu.CompilerParams(use_tc_tiling_on_sc=False),
    )
    def k(g_hbm, e_hbm, si_hbm, zg_hbm, ze_hbm, pg_hbm, pe_hbm,
          accg, acce, iv0, iv1, buf0, buf1, eb0, eb1, sl0, sl1):
        c = lax.axis_index("c")
        s = lax.axis_index("s")
        wid = s * NC + c
        base = wid * CPW

        pltpu.sync_copy(zg_hbm, accg.at[pl.ds(s * RPT, RPT)])
        pltpu.sync_copy(ze_hbm, acce.at[pl.ds(s * RPT, RPT)])
        plsc.subcore_barrier()

        sets = ((buf0, eb0, iv0, sl0), (buf1, eb1, iv1, sl1))

        def start(j, st):
            buf, eb, iv, sl = st
            pltpu.async_copy(g_hbm.at[base + j], buf, sl)
            pltpu.async_copy(e_hbm.at[base + j], eb, sl)
            pltpu.async_copy(si_hbm.at[base + j], iv, sl)

        def finish(j, st):
            buf, eb, iv, sl = st
            pltpu.make_async_copy(g_hbm.at[base + j], buf, sl).wait()
            pltpu.make_async_copy(e_hbm.at[base + j], eb, sl).wait()
            pltpu.make_async_copy(si_hbm.at[base + j], iv, sl).wait()
            pltpu.sync_copy(buf, accg.at[iv], add=True)
            pltpu.sync_copy(eb, acce.at[iv], add=True)

        start(0, sets[0])

        def chunk_body(j, _):
            for par in (0, 1):
                @pl.when(j % 2 == par)
                def _():
                    @pl.when(j + 1 < CPW)
                    def _():
                        start(j + 1, sets[1 - par])

                    finish(j, sets[par])

            return _

        lax.fori_loop(0, CPW, chunk_body, None)
        plsc.subcore_barrier()
        pltpu.sync_copy(accg.at[pl.ds(s * RPT, RPT)],
                        pg_hbm.at[pl.ds(c * NP + s * RPT, RPT)])
        pltpu.sync_copy(acce.at[pl.ds(s * RPT, RPT)],
                        pe_hbm.at[pl.ds(c * NP + s * RPT, RPT)])

    return k(g3, e2, si, zg, ze)


def _tc_finalize(pg, pe, xp):
    R = 1024

    def body(pg_r, pe_r, x_r, out_r):
        p = pg_r[...]
        head = p[0] + p[1]
        pev = pe_r[...]
        gs = _rows_to_col(pev[0] + pev[1])
        out_r[...] = head / (gs + 1e-10) + x_r[...]

    return pl.pallas_call(
        body,
        grid=(NP // R,),
        in_specs=[
            pl.BlockSpec((NC, R, D), lambda i: (0, i, 0)),
            pl.BlockSpec((NC, R // CHUNK, CHUNK), lambda i: (0, i, 0)),
            pl.BlockSpec((R, D), lambda i: (i, 0)),
        ],
        out_specs=pl.BlockSpec((R, D), lambda i: (i, 0)),
        out_shape=jax.ShapeDtypeStruct((NP, D), jnp.float32),
    )(pg, pe, xp)


def kernel(elem_weights, elem_in_fea, self_fea_idx, nbr_fea_idx,
           gate_W0, gate_b0, gate_W1, gate_b1,
           msg_W0, msg_b0, msg_W1, msg_b1):
    x = jnp.pad(elem_in_fea, ((0, NT - N), (0, 0)))
    w = jnp.pad(elem_weights.reshape(N), (0, NT - N))
    pad_idx = jnp.full((EP - E,), N, jnp.int32)
    si = jnp.concatenate([self_fea_idx, pad_idx]).reshape(NCHUNK, CHUNK)
    ni = jnp.concatenate([nbr_fea_idx, pad_idx]).reshape(NCHUNK, CHUNK)

    fsn, wn = _sc_gather(x, w, si, ni)
    bf = jnp.bfloat16
    g_rows, e2 = _tc_mlp(
        fsn, wn.reshape(NB, B // CHUNK, CHUNK),
        gate_W0.astype(bf), gate_b0.reshape(1, HID),
        gate_W1.astype(bf), gate_b1.reshape(1, 1),
        msg_W0.astype(bf), msg_b0.reshape(1, HID),
        msg_W1.astype(bf), msg_b1.reshape(1, D),
    )

    zg = jnp.zeros((RPT, D), jnp.float32)
    ze = jnp.zeros((RPT,), jnp.float32)
    pg, pe = _sc_scatter(g_rows.reshape(NCHUNK, CHUNK, D),
                         e2.reshape(NCHUNK, CHUNK), si, zg, ze)

    xp = jnp.pad(elem_in_fea, ((0, NP - N), (0, 0)))
    out = _tc_finalize(pg.reshape(NC, NP, D),
                       pe.reshape(NC, NP // CHUNK, CHUNK), xp)
    return out[:N]

# --- scband reference (transcript-rebuilt; emitter-appended) ---
"""Pipeline reference for scband-message-layer-17214228922618 (READ-ONLY COPY).

The authoritative reference and input builder live on the scoring server;
editing this copy changes nothing except your own understanding.
"""

import jax, jax.numpy as jnp
import numpy as np

N = 10000
E = 320000
D = 128
HID = 256
WEIGHT_POW = 1.0


def _leaky_relu(x):
    return jnp.where(x >= 0, x, 0.01 * x)


def setup_inputs(seed: int = 0):
    key = jax.random.key(seed)
    ks = jax.random.split(key, 8)

    def lin(k, fin, fout):
        kw, kb = jax.random.split(k)
        bound = 1.0 / np.sqrt(fin)
        W = jax.random.uniform(kw, (fin, fout), minval=-bound, maxval=bound, dtype=jnp.float32)
        b = jax.random.uniform(kb, (fout,), minval=-bound, maxval=bound, dtype=jnp.float32)
        return W, b

    gate_W0, gate_b0 = lin(ks[4], 2 * D, HID)
    gate_W1, gate_b1 = lin(ks[5], HID, 1)
    msg_W0, msg_b0 = lin(ks[6], 2 * D, HID)
    msg_W1, msg_b1 = lin(ks[7], HID, D)

    return {
        "elem_weights": jax.random.uniform(ks[0], (N, 1), dtype=jnp.float32) + 0.01,
        "elem_in_fea": jax.random.normal(ks[1], (N, D), dtype=jnp.float32),
        "self_fea_idx": jnp.sort(jax.random.randint(ks[2], (E,), 0, N, dtype=jnp.int32)),
        "nbr_fea_idx": jax.random.randint(ks[3], (E,), 0, N, dtype=jnp.int32),
        "gate_W0": gate_W0, "gate_b0": gate_b0, "gate_W1": gate_W1, "gate_b1": gate_b1,
        "msg_W0": msg_W0, "msg_b0": msg_b0, "msg_W1": msg_W1, "msg_b1": msg_b1,
    }


def reference(elem_weights, elem_in_fea, self_fea_idx, nbr_fea_idx,
              gate_W0, gate_b0, gate_W1, gate_b1,
              msg_W0, msg_b0, msg_W1, msg_b1):
    # gather edge endpoint features
    elem_nbr_weights = jnp.take(elem_weights, nbr_fea_idx, axis=0)      # (E, 1)
    elem_nbr_fea = jnp.take(elem_in_fea, nbr_fea_idx, axis=0)           # (E, D)
    elem_self_fea = jnp.take(elem_in_fea, self_fea_idx, axis=0)         # (E, D)
    fea = jnp.concatenate([elem_self_fea, elem_nbr_fea], axis=1)        # (E, 2D)

    # WeightedAttentionPooling head (elem_heads = 1)
    # gate_nn: SimpleNetwork(2D -> [256] -> 1) with LeakyReLU
    gate = _leaky_relu(fea @ gate_W0 + gate_b0) @ gate_W1 + gate_b1     # (E, 1)
    gmax = jax.ops.segment_max(gate, self_fea_idx, num_segments=N)     # (N, 1)
    gate = gate - jnp.take(gmax, self_fea_idx, axis=0)
    gate = (elem_nbr_weights ** WEIGHT_POW) * jnp.exp(gate)
    gsum = jax.ops.segment_sum(gate, self_fea_idx, num_segments=N)     # (N, 1)
    gate = gate / (jnp.take(gsum, self_fea_idx, axis=0) + 1e-10)

    # message_nn: SimpleNetwork(2D -> [256] -> D) with LeakyReLU
    msg = _leaky_relu(fea @ msg_W0 + msg_b0) @ msg_W1 + msg_b1          # (E, D)
    head = jax.ops.segment_sum(gate * msg, self_fea_idx, num_segments=N)  # (N, D)

    # mean over heads (single head) + residual
    fea_out = head
    return fea_out + elem_in_fea

if __name__ == "__main__":
    import jax
    _d = setup_inputs()
    print(jax.jit(kernel)(*tuple(_d.values())))

</pallas_src>

<mosaic_0001>
#map = affine_map<(d0, d1) -> (0, 0)>
#map1 = affine_map<(d0, d1) -> (0)>
#map2 = affine_map<(d0, d1) -> (0, 0, 0, 0)>
module attributes {stable_mosaic.version = 14 : i64} {
  func.func @k(%arg0: i32, %arg1: i32, %arg2: memref<10016x128xf32, #tpu.memory_space<hbm>>, %arg3: memref<10016xf32, #tpu.memory_space<hbm>>, %arg4: memref<2528x128xi32, #tpu.memory_space<hbm>>, %arg5: memref<2528x128xi32, #tpu.memory_space<hbm>>, %arg6: memref<2528x2x128x128xf32, #tpu.memory_space<hbm>>, %arg7: memref<2528x128xf32, #tpu.memory_space<hbm>>, %arg8: memref<79x128xi32, #tpu.memory_space<vmem>>, %arg9: memref<79x128xi32, #tpu.memory_space<vmem>>, %arg10: memref<79x128xf32, #tpu.memory_space<vmem>>, %arg11: memref<2x128x128xf32, #tpu.memory_space<vmem>>, %arg12: memref<2x128x128xf32, #tpu.memory_space<vmem>>, %arg13: memref<!tpu.dma_semaphore, #tpu.memory_space<semaphore_mem>>, %arg14: memref<!tpu.dma_semaphore, #tpu.memory_space<semaphore_mem>>, %arg15: memref<!tpu.dma_semaphore, #tpu.memory_space<semaphore_mem>>, %arg16: memref<!tpu.dma_semaphore, #tpu.memory_space<semaphore_mem>>) attributes {dimension_semantics = [#tpu.dimension_semantics<core_parallel>, #tpu.dimension_semantics<subcore_parallel>], iteration_bounds = array<i64: 2, 16>, scalar_prefetch = 0 : i64, scratch_operands = 9 : i64, tpu.core_type = #tpu.core_type<sc_vector_subcore>, window_params = [{transform_indices = #map}, {transform_indices = #map1}, {transform_indices = #map}, {transform_indices = #map}, {transform_indices = #map2}, {transform_indices = #map}]} {
    %mul3A = arith.constant 2 : i32
    %mul3A_0 = arith.muli %arg1, %mul3A : i32
    %add3A = arith.addi %mul3A_0, %arg0 : i32
    %mul3A_1 = arith.constant 79 : i32
    %mul3A_2 = arith.muli %add3A, %mul3A_1 : i32
    "tpu.region"() ({
      %run_scoped3A = tpu.sem_alloc : memref<!tpu.dma_semaphore, #tpu.memory_space<semaphore_mem>>
      %dma_start3A_52 = arith.constant 0 : i32
      %dma_start3A_53 = tpu.memref_slice %arg4[%mul3A_2, %dma_start3A_52] : memref<2528x128xi32, #tpu.memory_space<hbm>> -> memref<79x128xi32, #tpu.memory_space<hbm>>
      %dma_start3A_54 = arith.constant 0 : i32
      %dma_start3A_55 = tpu.memref_slice %arg4[%mul3A_2, %dma_start3A_54] : memref<2528x128xi32, #tpu.memory_space<hbm>> -> memref<79x128xi32, #tpu.memory_space<hbm>>
      tpu.enqueue_dma source(%dma_start3A_55 : memref<79x128xi32, #tpu.memory_space<hbm>>) target(%arg8 : memref<79x128xi32, #tpu.memory_space<vmem>>) target_semaphore(%run_scoped3A : memref<!tpu.dma_semaphore, #tpu.memory_space<semaphore_mem>>)
      %dma_wait3A_56 = arith.constant 0 : i32
      %dma_wait3A_57 = tpu.memref_slice %arg4[%mul3A_2, %dma_wait3A_56] : memref<2528x128xi32, #tpu.memory_space<hbm>> -> memref<79x128xi32, #tpu.memory_space<hbm>>
      %dma_wait3A_58 = arith.constant 0 : i32
      %dma_wait3A_59 = tpu.memref_slice %arg4[%mul3A_2, %dma_wait3A_58] : memref<2528x128xi32, #tpu.memory_space<hbm>> -> memref<79x128xi32, #tpu.memory_space<hbm>>
      tpu.wait_dma2 semaphore(%run_scoped3A : memref<!tpu.dma_semaphore, #tpu.memory_space<semaphore_mem>>) src(%dma_wait3A_59 : memref<79x128xi32, #tpu.memory_space<hbm>>) dst(%arg8 : memref<79x128xi32, #tpu.memory_space<vmem>>)
      tpu.yield
    }) : () -> ()
    "tpu.region"() ({
      %run_scoped3A = tpu.sem_alloc : memref<!tpu.dma_semaphore, #tpu.memory_space<semaphore_mem>>
      %dma_start3A_52 = arith.constant 0 : i32
      %dma_start3A_53 = tpu.memref_slice %arg5[%mul3A_2, %dma_start3A_52] : memref<2528x128xi32, #tpu.memory_space<hbm>> -> memref<79x128xi32, #tpu.memory_space<hbm>>
      %dma_start3A_54 = arith.constant 0 : i32
      %dma_start3A_55 = tpu.memref_slice %arg5[%mul3A_2, %dma_start3A_54] : memref<2528x128xi32, #tpu.memory_space<hbm>> -> memref<79x128xi32, #tpu.memory_space<hbm>>
      tpu.enqueue_dma source(%dma_start3A_55 : memref<79x128xi32, #tpu.memory_space<hbm>>) target(%arg9 : memref<79x128xi32, #tpu.memory_space<vmem>>) target_semaphore(%run_scoped3A : memref<!tpu.dma_semaphore, #tpu.memory_space<semaphore_mem>>)
      %dma_wait3A_56 = arith.constant 0 : i32
      %dma_wait3A_57 = tpu.memref_slice %arg5[%mul3A_2, %dma_wait3A_56] : memref<2528x128xi32, #tpu.memory_space<hbm>> -> memref<79x128xi32, #tpu.memory_space<hbm>>
      %dma_wait3A_58 = arith.constant 0 : i32
      %dma_wait3A_59 = tpu.memref_slice %arg5[%mul3A_2, %dma_wait3A_58] : memref<2528x128xi32, #tpu.memory_space<hbm>> -> memref<79x128xi32, #tpu.memory_space<hbm>>
      tpu.wait_dma2 semaphore(%run_scoped3A : memref<!tpu.dma_semaphore, #tpu.memory_space<semaphore_mem>>) src(%dma_wait3A_59 : memref<79x128xi32, #tpu.memory_space<hbm>>) dst(%arg9 : memref<79x128xi32, #tpu.memory_space<vmem>>)
      tpu.yield
    }) : () -> ()
    %dma_start3A = arith.constant 0 : i32
    %dma_start3A_3 = arith.constant 0 : i32
    %dma_start3A_4 = arith.constant 0 : i32
    %dma_start3A_5 = arith.constant 0 : i32
    %dma_start3A_6 = tpu.memref_slice %arg11[%dma_start3A_3, %dma_start3A_4, %dma_start3A_5] : memref<2x128x128xf32, #tpu.memory_space<vmem>> -> memref<1x128x128xf32, #tpu.memory_space<vmem>>
    %dma_start3A_7 = tpu.memref_squeeze %dma_start3A_6 : memref<1x128x128xf32, #tpu.memory_space<vmem>> -> memref<128x128xf32, #tpu.memory_space<vmem>>
    %dma_start3A_8 = arith.constant 0 : i32
    %dma_start3A_9 = tpu.memref_slice %arg8[%dma_start3A, %dma_start3A_8] : memref<79x128xi32, #tpu.memory_space<vmem>> -> memref<1x128xi32, #tpu.memory_space<vmem>>
    %dma_start3A_10 = tpu.memref_squeeze %dma_start3A_9 : memref<1x128xi32, #tpu.memory_space<vmem>> -> memref<128xi32, #tpu.memory_space<vmem>>
    %dma_start3A_11 = arith.constant 0 : i32
    %dma_start3A_12 = arith.constant 0 : i32
    %dma_start3A_13 = tpu.memref_slice %arg2[%dma_start3A_11, %dma_start3A_12] : memref<10016x128xf32, #tpu.memory_space<hbm>> -> memref<10016x128xf32, #tpu.memory_space<hbm>>
    tpu.enqueue_indirect_dma source(%dma_start3A_13 : memref<10016x128xf32, #tpu.memory_space<hbm>>) target(%dma_start3A_7 : memref<128x128xf32, #tpu.memory_space<vmem>>) offsets(%dma_start3A_10 : memref<128xi32, #tpu.memory_space<vmem>>) semaphore(%arg13 : memref<!tpu.dma_semaphore, #tpu.memory_space<semaphore_mem>>)
    %dma_start3A_14 = arith.constant 0 : i32
    %dma_start3A_15 = arith.constant 1 : i32
    %dma_start3A_16 = arith.constant 0 : i32
    %dma_start3A_17 = arith.constant 0 : i32
    %dma_start3A_18 = tpu.memref_slice %arg11[%dma_start3A_15, %dma_start3A_16, %dma_start3A_17] : memref<2x128x128xf32, #tpu.memory_space<vmem>> -> memref<1x128x128xf32, #tpu.memory_space<vmem>>
    %dma_start3A_19 = tpu.memref_squeeze %dma_start3A_18 : memref<1x128x128xf32, #tpu.memory_space<vmem>> -> memref<128x128xf32, #tpu.memory_space<vmem>>
    %dma_start3A_20 = arith.constant 0 : i32
    %dma_start3A_21 = tpu.memref_slice %arg9[%dma_start3A_14, %dma_start3A_20] : memref<79x128xi32, #tpu.memory_space<vmem>> -> memref<1x128xi32, #tpu.memory_space<vmem>>
    %dma_start3A_22 = tpu.memref_squeeze %dma_start3A_21 : memref<1x128xi32, #tpu.memory_space<vmem>> -> memref<128xi32, #tpu.memory_space<vmem>>
    %dma_start3A_23 = arith.constant 0 : i32
    %dma_start3A_24 = arith.constant 0 : i32
    %dma_start3A_25 = tpu.memref_slice %arg2[%dma_start3A_23, %dma_start3A_24] : memref<10016x128xf32, #tpu.memory_space<hbm>> -> memref<10016x128xf32, #tpu.memory_space<hbm>>
    tpu.enqueue_indirect_dma source(%dma_start3A_25 : memref<10016x128xf32, #tpu.memory_space<hbm>>) target(%dma_start3A_19 : memref<128x128xf32, #tpu.memory_space<vmem>>) offsets(%dma_start3A_22 : memref<128xi32, #tpu.memory_space<vmem>>) semaphore(%arg13 : memref<!tpu.dma_semaphore, #tpu.memory_space<semaphore_mem>>)
    %dma_start3A_26 = arith.constant 0 : i32
    %dma_start3A_27 = arith.constant 0 : i32
    %dma_start3A_28 = arith.constant 0 : i32
    %dma_start3A_29 = tpu.memref_slice %arg10[%dma_start3A_27, %dma_start3A_28] : memref<79x128xf32, #tpu.memory_space<vmem>> -> memref<1x128xf32, #tpu.memory_space<vmem>>
    %dma_start3A_30 = tpu.memref_squeeze %dma_start3A_29 : memref<1x128xf32, #tpu.memory_space<vmem>> -> memref<128xf32, #tpu.memory_space<vmem>>
    %dma_start3A_31 = arith.constant 0 : i32
    %dma_start3A_32 = tpu.memref_slice %arg9[%dma_start3A_26, %dma_start3A_31] : memref<79x128xi32, #tpu.memory_space<vmem>> -> memref<1x128xi32, #tpu.memory_space<vmem>>
    %dma_start3A_33 = tpu.memref_squeeze %dma_start3A_32 : memref<1x128xi32, #tpu.memory_space<vmem>> -> memref<128xi32, #tpu.memory_space<vmem>>
    %dma_start3A_34 = arith.constant 0 : i32
    %dma_start3A_35 = tpu.memref_slice %arg3[%dma_start3A_34] : memref<10016xf32, #tpu.memory_space<hbm>> -> memref<10016xf32, #tpu.memory_space<hbm>>
    tpu.enqueue_indirect_dma source(%dma_start3A_35 : memref<10016xf32, #tpu.memory_space<hbm>>) target(%dma_start3A_30 : memref<128xf32, #tpu.memory_space<vmem>>) offsets(%dma_start3A_33 : memref<128xi32, #tpu.memory_space<vmem>>) semaphore(%arg13 : memref<!tpu.dma_semaphore, #tpu.memory_space<semaphore_mem>>)
    %scan3A = arith.constant 0 : i32
    %scan3A_36 = arith.constant 79 : i32
    %scan3A_37 = arith.addi %scan3A, %scan3A_36 : i32
    %scan3A_38 = arith.constant 1 : i32
    scf.for %scan3A_52 = %scan3A to %scan3A_37 step %scan3A_38  : i32 {
      %jit3A = arith.constant 2 : i32
      %eq3A = arith.constant 0 : i32
      %eq3A_53 = arith.cmpi eq, %jit3A, %eq3A : i32
      %jit3A_54 = arith.constant 1 : i32
      %select_n3A = arith.select %eq3A_53, %jit3A_54, %jit3A : i32
      %rem3A = arith.remsi %scan3A_52, %select_n3A : i32
      %ne3A = arith.constant 0 : i32
      %ne3A_55 = arith.cmpi ne, %rem3A, %ne3A : i32
      %lt3A = arith.constant 0 : i32
      %lt3A_56 = arith.cmpi slt, %rem3A, %lt3A : i32
      %lt3A_57 = arith.constant 0 : i32
      %lt3A_58 = arith.cmpi slt, %select_n3A, %lt3A_57 : i32
      %ne3A_59 = arith.xori %lt3A_56, %lt3A_58 : i1
      %and3A = arith.andi %ne3A_59, %ne3A_55 : i1
      %add3A_60 = arith.addi %rem3A, %select_n3A : i32
      %select_n3A_61 = arith.select %and3A, %add3A_60, %rem3A : i32
      %eq3A_62 = arith.constant 0 : i32
      %eq3A_63 = arith.cmpi eq, %select_n3A_61, %eq3A_62 : i32
      %convert_element_type3A = arith.extui %eq3A_63 : i1 to i32
      %cond3A = arith.constant 0 : i32
      %cond3A_64 = arith.cmpi ne, %convert_element_type3A, %cond3A : i32
      scf.if %cond3A_64 {
        %ge3A = arith.constant 1 : i32
        %ge3A_86 = arith.cmpi sge, %scan3A_52, %ge3A : i32
        %convert_element_type3A_87 = arith.extui %ge3A_86 : i1 to i32
        %cond3A_88 = arith.constant 0 : i32
        %cond3A_89 = arith.cmpi ne, %convert_element_type3A_87, %cond3A_88 : i32
        scf.if %cond3A_89 {
          %add3A_138 = arith.addi %mul3A_2, %scan3A_52 : i32
          %sub3A_139 = arith.constant 1 : i32
          %sub3A_140 = arith.subi %add3A_138, %sub3A_139 : i32
          %dma_wait3A_141 = arith.constant 0 : i32
          %dma_wait3A_142 = arith.constant 0 : i32
          %dma_wait3A_143 = arith.constant 0 : i32
          %dma_wait3A_144 = tpu.memref_slice %arg6[%sub3A_140, %dma_wait3A_141, %dma_wait3A_142, %dma_wait3A_143] : memref<2528x2x128x128xf32, #tpu.memory_space<hbm>> -> memref<1x2x128x128xf32, #tpu.memory_space<hbm>>
          %dma_wait3A_145 = tpu.memref_squeeze %dma_wait3A_144 : memref<1x2x128x128xf32, #tpu.memory_space<hbm>> -> memref<2x128x128xf32, #tpu.memory_space<hbm>>
          %dma_wait3A_146 = arith.constant 0 : i32
          %dma_wait3A_147 = arith.constant 0 : i32
          %dma_wait3A_148 = arith.constant 0 : i32
          %dma_wait3A_149 = tpu.memref_slice %arg6[%sub3A_140, %dma_wait3A_146, %dma_wait3A_147, %dma_wait3A_148] : memref<2528x2x128x128xf32, #tpu.memory_space<hbm>> -> memref<1x2x128x128xf32, #tpu.memory_space<hbm>>
          %dma_wait3A_150 = tpu.memref_squeeze %dma_wait3A_149 : memref<1x2x128x128xf32, #tpu.memory_space<hbm>> -> memref<2x128x128xf32, #tpu.memory_space<hbm>>
          tpu.wait_dma2 semaphore(%arg16 : memref<!tpu.dma_semaphore, #tpu.memory_space<semaphore_mem>>) src(%arg12 : memref<2x128x128xf32, #tpu.memory_space<vmem>>) dst(%dma_wait3A_150 : memref<2x128x128xf32, #tpu.memory_space<hbm>>)
        } else {
        }
        %add3A_90 = arith.constant 1 : i32
        %add3A_91 = arith.addi %scan3A_52, %add3A_90 : i32
        %lt3A_92 = arith.constant 79 : i32
        %lt3A_93 = arith.cmpi slt, %add3A_91, %lt3A_92 : i32
        %convert_element_type3A_94 = arith.extui %lt3A_93 : i1 to i32
        %cond3A_95 = arith.constant 0 : i32
        %cond3A_96 = arith.cmpi ne, %convert_element_type3A_94, %cond3A_95 : i32
        scf.if %cond3A_96 {
          %add3A_138 = arith.constant 1 : i32
          %add3A_139 = arith.addi %scan3A_52, %add3A_138 : i32
          %dma_start3A_140 = arith.constant 0 : i32
          %dma_start3A_141 = arith.constant 0 : i32
          %dma_start3A_142 = arith.constant 0 : i32
          %dma_start3A_143 = tpu.memref_slice %arg12[%dma_start3A_140, %dma_start3A_141, %dma_start3A_142] : memref<2x128x128xf32, #tpu.memory_space<vmem>> -> memref<1x128x128xf32, #tpu.memory_space<vmem>>
          %dma_start3A_144 = tpu.memref_squeeze %dma_start3A_143 : memref<1x128x128xf32, #tpu.memory_space<vmem>> -> memref<128x128xf32, #tpu.memory_space<vmem>>
          %dma_start3A_145 = arith.constant 0 : i32
          %dma_start3A_146 = tpu.memref_slice %arg8[%add3A_139, %dma_start3A_145] : memref<79x128xi32, #tpu.memory_space<vmem>> -> memref<1x128xi32, #tpu.memory_space<vmem>>
          %dma_start3A_147 = tpu.memref_squeeze %dma_start3A_146 : memref<1x128xi32, #tpu.memory_space<vmem>> -> memref<128xi32, #tpu.memory_space<vmem>>
          %dma_start3A_148 = arith.constant 0 : i32
          %dma_start3A_149 = arith.constant 0 : i32
          %dma_start3A_150 = tpu.memref_slice %arg2[%dma_start3A_148, %dma_start3A_149] : memref<10016x128xf32, #tpu.memory_space<hbm>> -> memref<10016x128xf32, #tpu.memory_space<hbm>>
          tpu.enqueue_indirect_dma source(%dma_start3A_150 : memref<10016x128xf32, #tpu.memory_space<hbm>>) target(%dma_start3A_144 : memref<128x128xf32, #tpu.memory_space<vmem>>) offsets(%dma_start3A_147 : memref<128xi32, #tpu.memory_space<vmem>>) semaphore(%arg14 : memref<!tpu.dma_semaphore, #tpu.memory_space<semaphore_mem>>)
          %dma_start3A_151 = arith.constant 1 : i32
          %dma_start3A_152 = arith.constant 0 : i32
          %dma_start3A_153 = arith.constant 0 : i32
          %dma_start3A_154 = tpu.memref_slice %arg12[%dma_start3A_151, %dma_start3A_152, %dma_start3A_153] : memref<2x128x128xf32, #tpu.memory_space<vmem>> -> memref<1x128x128xf32, #tpu.memory_space<vmem>>
          %dma_start3A_155 = tpu.memref_squeeze %dma_start3A_154 : memref<1x128x128xf32, #tpu.memory_space<vmem>> -> memref<128x128xf32, #tpu.memory_space<vmem>>
          %dma_start3A_156 = arith.constant 0 : i32
          %dma_start3A_157 = tpu.memref_slice %arg9[%add3A_139, %dma_start3A_156] : memref<79x128xi32, #tpu.memory_space<vmem>> -> memref<1x128xi32, #tpu.memory_space<vmem>>
          %dma_start3A_158 = tpu.memref_squeeze %dma_start3A_157 : memref<1x128xi32, #tpu.memory_space<vmem>> -> memref<128xi32, #tpu.memory_space<vmem>>
          %dma_start3A_159 = arith.constant 0 : i32
          %dma_start3A_160 = arith.constant 0 : i32
          %dma_start3A_161 = tpu.memref_slice %arg2[%dma_start3A_159, %dma_start3A_160] : memref<10016x128xf32, #tpu.memory_space<hbm>> -> memref<10016x128xf32, #tpu.memory_space<hbm>>
          tpu.enqueue_indirect_dma source(%dma_start3A_161 : memref<10016x128xf32, #tpu.memory_space<hbm>>) target(%dma_start3A_155 : memref<128x128xf32, #tpu.memory_space<vmem>>) offsets(%dma_start3A_158 : memref<128xi32, #tpu.memory_space<vmem>>) semaphore(%arg14 : memref<!tpu.dma_semaphore, #tpu.memory_space<semaphore_mem>>)
          %dma_start3A_162 = arith.constant 0 : i32
          %dma_start3A_163 = tpu.memref_slice %arg10[%add3A_139, %dma_start3A_162] : memref<79x128xf32, #tpu.memory_space<vmem>> -> memref<1x128xf32, #tpu.memory_space<vmem>>
          %dma_start3A_164 = tpu.memref_squeeze %dma_start3A_163 : memref<1x128xf32, #tpu.memory_space<vmem>> -> memref<128xf32, #tpu.memory_space<vmem>>
          %dma_start3A_165 = arith.constant 0 : i32
          %dma_start3A_166 = tpu.memref_slice %arg9[%add3A_139, %dma_start3A_165] : memref<79x128xi32, #tpu.memory_space<vmem>> -> memref<1x128xi32, #tpu.memory_space<vmem>>
          %dma_start3A_167 = tpu.memref_squeeze %dma_start3A_166 : memref<1x128xi32, #tpu.memory_space<vmem>> -> memref<128xi32, #tpu.memory_space<vmem>>
          %dma_start3A_168 = arith.constant 0 : i32
          %dma_start3A_169 = tpu.memref_slice %arg3[%dma_start3A_168] : memref<10016xf32, #tpu.memory_space<hbm>> -> memref<10016xf32, #tpu.memory_space<hbm>>
          tpu.enqueue_indirect_dma source(%dma_start3A_169 : memref<10016xf32, #tpu.memory_space<hbm>>) target(%dma_start3A_164 : memref<128xf32, #tpu.memory_space<vmem>>) offsets(%dma_start3A_167 : memref<128xi32, #tpu.memory_space<vmem>>) semaphore(%arg14 : memref<!tpu.dma_semaphore, #tpu.memory_space<semaphore_mem>>)
        } else {
        }
        %dma_wait3A_97 = arith.constant 0 : i32
        %dma_wait3A_98 = arith.constant 0 : i32
        %dma_wait3A_99 = arith.constant 0 : i32
        %dma_wait3A_100 = tpu.memref_slice %arg11[%dma_wait3A_97, %dma_wait3A_98, %dma_wait3A_99] : memref<2x128x128xf32, #tpu.memory_space<vmem>> -> memref<1x128x128xf32, #tpu.memory_space<vmem>>
        %dma_wait3A_101 = tpu.memref_squeeze %dma_wait3A_100 : memref<1x128x128xf32, #tpu.memory_space<vmem>> -> memref<128x128xf32, #tpu.memory_space<vmem>>
        %dma_wait3A_102 = arith.constant 0 : i32
        %dma_wait3A_103 = tpu.memref_slice %arg8[%scan3A_52, %dma_wait3A_102] : memref<79x128xi32, #tpu.memory_space<vmem>> -> memref<1x128xi32, #tpu.memory_space<vmem>>
        %dma_wait3A_104 = tpu.memref_squeeze %dma_wait3A_103 : memref<1x128xi32, #tpu.memory_space<vmem>> -> memref<128xi32, #tpu.memory_space<vmem>>
        %dma_wait3A_105 = arith.constant 0 : i32
        %dma_wait3A_106 = arith.constant 0 : i32
        %dma_wait3A_107 = tpu.memref_slice %arg2[%dma_wait3A_105, %dma_wait3A_106] : memref<10016x128xf32, #tpu.memory_space<hbm>> -> memref<10016x128xf32, #tpu.memory_space<hbm>>
        tpu.wait_indirect_dma semaphore(%arg13 : memref<!tpu.dma_semaphore, #tpu.memory_space<semaphore_mem>>) src(%dma_wait3A_107 : memref<10016x128xf32, #tpu.memory_space<hbm>>) dst(%dma_wait3A_101 : memref<128x128xf32, #tpu.memory_space<vmem>>)
        %dma_wait3A_108 = arith.constant 1 : i32
        %dma_wait3A_109 = arith.constant 0 : i32
        %dma_wait3A_110 = arith.constant 0 : i32
        %dma_wait3A_111 = tpu.memref_slice %arg11[%dma_wait3A_108, %dma_wait3A_109, %dma_wait3A_110] : memref<2x128x128xf32, #tpu.memory_space<vmem>> -> memref<1x128x128xf32, #tpu.memory_space<vmem>>
        %dma_wait3A_112 = tpu.memref_squeeze %dma_wait3A_111 : memref<1x128x128xf32, #tpu.memory_space<vmem>> -> memref<128x128xf32, #tpu.memory_space<vmem>>
        %dma_wait3A_113 = arith.constant 0 : i32
        %dma_wait3A_114 = tpu.memref_slice %arg9[%scan3A_52, %dma_wait3A_113] : memref<79x128xi32, #tpu.memory_space<vmem>> -> memref<1x128xi32, #tpu.memory_space<vmem>>
        %dma_wait3A_115 = tpu.memref_squeeze %dma_wait3A_114 : memref<1x128xi32, #tpu.memory_space<vmem>> -> memref<128xi32, #tpu.memory_space<vmem>>
        %dma_wait3A_116 = arith.constant 0 : i32
        %dma_wait3A_117 = arith.constant 0 : i32
        %dma_wait3A_118 = tpu.memref_slice %arg2[%dma_wait3A_116, %dma_wait3A_117] : memref<10016x128xf32, #tpu.memory_space<hbm>> -> memref<10016x128xf32, #tpu.memory_space<hbm>>
        tpu.wait_indirect_dma semaphore(%arg13 : memref<!tpu.dma_semaphore, #tpu.memory_space<semaphore_mem>>) src(%dma_wait3A_118 : memref<10016x128xf32, #tpu.memory_space<hbm>>) dst(%dma_wait3A_112 : memref<128x128xf32, #tpu.memory_space<vmem>>)
        %dma_wait3A_119 = arith.constant 0 : i32
        %dma_wait3A_120 = tpu.memref_slice %arg10[%scan3A_52, %dma_wait3A_119] : memref<79x128xf32, #tpu.memory_space<vmem>> -> memref<1x128xf32, #tpu.memory_space<vmem>>
        %dma_wait3A_121 = tpu.memref_squeeze %dma_wait3A_120 : memref<1x128xf32, #tpu.memory_space<vmem>> -> memref<128xf32, #tpu.memory_space<vmem>>
        %dma_wait3A_122 = arith.constant 0 : i32
        %dma_wait3A_123 = tpu.memref_slice %arg9[%scan3A_52, %dma_wait3A_122] : memref<79x128xi32, #tpu.memory_space<vmem>> -> memref<1x128xi32, #tpu.memory_space<vmem>>
        %dma_wait3A_124 = tpu.memref_squeeze %dma_wait3A_123 : memref<1x128xi32, #tpu.memory_space<vmem>> -> memref<128xi32, #tpu.memory_space<vmem>>
        %dma_wait3A_125 = arith.constant 0 : i32
        %dma_wait3A_126 = tpu.memref_slice %arg3[%dma_wait3A_125] : memref<10016xf32, #tpu.memory_space<hbm>> -> memref<10016xf32, #tpu.memory_space<hbm>>
        tpu.wait_indirect_dma semaphore(%arg13 : memref<!tpu.dma_semaphore, #tpu.memory_space<semaphore_mem>>) src(%dma_wait3A_126 : memref<10016xf32, #tpu.memory_space<hbm>>) dst(%dma_wait3A_121 : memref<128xf32, #tpu.memory_space<vmem>>)
        %add3A_127 = arith.addi %mul3A_2, %scan3A_52 : i32
        %dma_start3A_128 = arith.constant 0 : i32
        %dma_start3A_129 = arith.constant 0 : i32
        %dma_start3A_130 = arith.constant 0 : i32
        %dma_start3A_131 = tpu.memref_slice %arg6[%add3A_127, %dma_start3A_128, %dma_start3A_129, %dma_start3A_130] : memref<2528x2x128x128xf32, #tpu.memory_space<hbm>> -> memref<1x2x128x128xf32, #tpu.memory_space<hbm>>
        %dma_start3A_132 = tpu.memref_squeeze %dma_start3A_131 : memref<1x2x128x128xf32, #tpu.memory_space<hbm>> -> memref<2x128x128xf32, #tpu.memory_space<hbm>>
        %dma_start3A_133 = arith.constant 0 : i32
        %dma_start3A_134 = arith.constant 0 : i32
        %dma_start3A_135 = arith.constant 0 : i32
        %dma_start3A_136 = tpu.memref_slice %arg6[%add3A_127, %dma_start3A_133, %dma_start3A_134, %dma_start3A_135] : memref<2528x2x128x128xf32, #tpu.memory_space<hbm>> -> memref<1x2x128x128xf32, #tpu.memory_space<hbm>>
        %dma_start3A_137 = tpu.memref_squeeze %dma_start3A_136 : memref<1x2x128x128xf32, #tpu.memory_space<hbm>> -> memref<2x128x128xf32, #tpu.memory_space<hbm>>
        tpu.enqueue_dma source(%arg11 : memref<2x128x128xf32, #tpu.memory_space<vmem>>) target(%dma_start3A_137 : memref<2x128x128xf32, #tpu.memory_space<hbm>>) target_semaphore(%arg15 : memref<!tpu.dma_semaphore, #tpu.memory_space<semaphore_mem>>)
      } else {
      }
      %jit3A_65 = arith.constant 2 : i32
      %eq3A_66 = arith.constant 0 : i32
      %eq3A_67 = arith.cmpi eq, %jit3A_65, %eq3A_66 : i32
      %jit3A_68 = arith.constant 1 : i32
      %select_n3A_69 = arith.select %eq3A_67, %jit3A_68, %jit3A_65 : i32
      %rem3A_70 = arith.remsi %scan3A_52, %select_n3A_69 : i32
      %ne3A_71 = arith.constant 0 : i32
      %ne3A_72 = arith.cmpi ne, %rem3A_70, %ne3A_71 : i32
      %lt3A_73 = arith.constant 0 : i32
      %lt3A_74 = arith.cmpi slt, %rem3A_70, %lt3A_73 : i32
      %lt3A_75 = arith.constant 0 : i32
      %lt3A_76 = arith.cmpi slt, %select_n3A_69, %lt3A_75 : i32
      %ne3A_77 = arith.xori %lt3A_74, %lt3A_76 : i1
      %and3A_78 = arith.andi %ne3A_77, %ne3A_72 : i1
      %add3A_79 = arith.addi %rem3A_70, %select_n3A_69 : i32
      %select_n3A_80 = arith.select %and3A_78, %add3A_79, %rem3A_70 : i32
      %eq3A_81 = arith.constant 1 : i32
      %eq3A_82 = arith.cmpi eq, %select_n3A_80, %eq3A_81 : i32
      %convert_element_type3A_83 = arith.extui %eq3A_82 : i1 to i32
      %cond3A_84 = arith.constant 0 : i32
      %cond3A_85 = arith.cmpi ne, %convert_element_type3A_83, %cond3A_84 : i32
      scf.if %cond3A_85 {
        %ge3A = arith.constant 1 : i32
        %ge3A_86 = arith.cmpi sge, %scan3A_52, %ge3A : i32
        %convert_element_type3A_87 = arith.extui %ge3A_86 : i1 to i32
        %cond3A_88 = arith.constant 0 : i32
        %cond3A_89 = arith.cmpi ne, %convert_element_type3A_87, %cond3A_88 : i32
        scf.if %cond3A_89 {
          %add3A_138 = arith.addi %mul3A_2, %scan3A_52 : i32
          %sub3A_139 = arith.constant 1 : i32
          %sub3A_140 = arith.subi %add3A_138, %sub3A_139 : i32
          %dma_wait3A_141 = arith.constant 0 : i32
          %dma_wait3A_142 = arith.constant 0 : i32
          %dma_wait3A_143 = arith.constant 0 : i32
          %dma_wait3A_144 = tpu.memref_slice %arg6[%sub3A_140, %dma_wait3A_141, %dma_wait3A_142, %dma_wait3A_143] : memref<2528x2x128x128xf32, #tpu.memory_space<hbm>> -> memref<1x2x128x128xf32, #tpu.memory_space<hbm>>
          %dma_wait3A_145 = tpu.memref_squeeze %dma_wait3A_144 : memref<1x2x128x128xf32, #tpu.memory_space<hbm>> -> memref<2x128x128xf32, #tpu.memory_space<hbm>>
          %dma_wait3A_146 = arith.constant 0 : i32
          %dma_wait3A_147 = arith.constant 0 : i32
          %dma_wait3A_148 = arith.constant 0 : i32
          %dma_wait3A_149 = tpu.memref_slice %arg6[%sub3A_140, %dma_wait3A_146, %dma_wait3A_147, %dma_wait3A_148] : memref<2528x2x128x128xf32, #tpu.memory_space<hbm>> -> memref<1x2x128x128xf32, #tpu.memory_space<hbm>>
          %dma_wait3A_150 = tpu.memref_squeeze %dma_wait3A_149 : memref<1x2x128x128xf32, #tpu.memory_space<hbm>> -> memref<2x128x128xf32, #tpu.memory_space<hbm>>
          tpu.wait_dma2 semaphore(%arg15 : memref<!tpu.dma_semaphore, #tpu.memory_space<semaphore_mem>>) src(%arg11 : memref<2x128x128xf32, #tpu.memory_space<vmem>>) dst(%dma_wait3A_150 : memref<2x128x128xf32, #tpu.memory_space<hbm>>)
        } else {
        }
        %add3A_90 = arith.constant 1 : i32
        %add3A_91 = arith.addi %scan3A_52, %add3A_90 : i32
        %lt3A_92 = arith.constant 79 : i32
        %lt3A_93 = arith.cmpi slt, %add3A_91, %lt3A_92 : i32
        %convert_element_type3A_94 = arith.extui %lt3A_93 : i1 to i32
        %cond3A_95 = arith.constant 0 : i32
        %cond3A_96 = arith.cmpi ne, %convert_element_type3A_94, %cond3A_95 : i32
        scf.if %cond3A_96 {
          %add3A_138 = arith.constant 1 : i32
          %add3A_139 = arith.addi %scan3A_52, %add3A_138 : i32
          %dma_start3A_140 = arith.constant 0 : i32
          %dma_start3A_141 = arith.constant 0 : i32
          %dma_start3A_142 = arith.constant 0 : i32
          %dma_start3A_143 = tpu.memref_slice %arg11[%dma_start3A_140, %dma_start3A_141, %dma_start3A_142] : memref<2x128x128xf32, #tpu.memory_space<vmem>> -> memref<1x128x128xf32, #tpu.memory_space<vmem>>
          %dma_start3A_144 = tpu.memref_squeeze %dma_start3A_143 : memref<1x128x128xf32, #tpu.memory_space<vmem>> -> memref<128x128xf32, #tpu.memory_space<vmem>>
          %dma_start3A_145 = arith.constant 0 : i32
          %dma_start3A_146 = tpu.memref_slice %arg8[%add3A_139, %dma_start3A_145] : memref<79x128xi32, #tpu.memory_space<vmem>> -> memref<1x128xi32, #tpu.memory_space<vmem>>
          %dma_start3A_147 = tpu.memref_squeeze %dma_start3A_146 : memref<1x128xi32, #tpu.memory_space<vmem>> -> memref<128xi32, #tpu.memory_space<vmem>>
          %dma_start3A_148 = arith.constant 0 : i32
          %dma_start3A_149 = arith.constant 0 : i32
          %dma_start3A_150 = tpu.memref_slice %arg2[%dma_start3A_148, %dma_start3A_149] : memref<10016x128xf32, #tpu.memory_space<hbm>> -> memref<10016x128xf32, #tpu.memory_space<hbm>>
          tpu.enqueue_indirect_dma source(%dma_start3A_150 : memref<10016x128xf32, #tpu.memory_space<hbm>>) target(%dma_start3A_144 : memref<128x128xf32, #tpu.memory_space<vmem>>) offsets(%dma_start3A_147 : memref<128xi32, #tpu.memory_space<vmem>>) semaphore(%arg13 : memref<!tpu.dma_semaphore, #tpu.memory_space<semaphore_mem>>)
          %dma_start3A_151 = arith.constant 1 : i32
          %dma_start3A_152 = arith.constant 0 : i32
          %dma_start3A_153 = arith.constant 0 : i32
          %dma_start3A_154 = tpu.memref_slice %arg11[%dma_start3A_151, %dma_start3A_152, %dma_start3A_153] : memref<2x128x128xf32, #tpu.memory_space<vmem>> -> memref<1x128x128xf32, #tpu.memory_space<vmem>>
          %dma_start3A_155 = tpu.memref_squeeze %dma_start3A_154 : memref<1x128x128xf32, #tpu.memory_space<vmem>> -> memref<128x128xf32, #tpu.memory_space<vmem>>
          %dma_start3A_156 = arith.constant 0 : i32
          %dma_start3A_157 = tpu.memref_slice %arg9[%add3A_139, %dma_start3A_156] : memref<79x128xi32, #tpu.memory_space<vmem>> -> memref<1x128xi32, #tpu.memory_space<vmem>>
          %dma_start3A_158 = tpu.memref_squeeze %dma_start3A_157 : memref<1x128xi32, #tpu.memory_space<vmem>> -> memref<128xi32, #tpu.memory_space<vmem>>
          %dma_start3A_159 = arith.constant 0 : i32
          %dma_start3A_160 = arith.constant 0 : i32
          %dma_start3A_161 = tpu.memref_slice %arg2[%dma_start3A_159, %dma_start3A_160] : memref<10016x128xf32, #tpu.memory_space<hbm>> -> memref<10016x128xf32, #tpu.memory_space<hbm>>
          tpu.enqueue_indirect_dma source(%dma_start3A_161 : memref<10016x128xf32, #tpu.memory_space<hbm>>) target(%dma_start3A_155 : memref<128x128xf32, #tpu.memory_space<vmem>>) offsets(%dma_start3A_158 : memref<128xi32, #tpu.memory_space<vmem>>) semaphore(%arg13 : memref<!tpu.dma_semaphore, #tpu.memory_space<semaphore_mem>>)
          %dma_start3A_162 = arith.constant 0 : i32
          %dma_start3A_163 = tpu.memref_slice %arg10[%add3A_139, %dma_start3A_162] : memref<79x128xf32, #tpu.memory_space<vmem>> -> memref<1x128xf32, #tpu.memory_space<vmem>>
          %dma_start3A_164 = tpu.memref_squeeze %dma_start3A_163 : memref<1x128xf32, #tpu.memory_space<vmem>> -> memref<128xf32, #tpu.memory_space<vmem>>
          %dma_start3A_165 = arith.constant 0 : i32
          %dma_start3A_166 = tpu.memref_slice %arg9[%add3A_139, %dma_start3A_165] : memref<79x128xi32, #tpu.memory_space<vmem>> -> memref<1x128xi32, #tpu.memory_space<vmem>>
          %dma_start3A_167 = tpu.memref_squeeze %dma_start3A_166 : memref<1x128xi32, #tpu.memory_space<vmem>> -> memref<128xi32, #tpu.memory_space<vmem>>
          %dma_start3A_168 = arith.constant 0 : i32
          %dma_start3A_169 = tpu.memref_slice %arg3[%dma_start3A_168] : memref<10016xf32, #tpu.memory_space<hbm>> -> memref<10016xf32, #tpu.memory_space<hbm>>
          tpu.enqueue_indirect_dma source(%dma_start3A_169 : memref<10016xf32, #tpu.memory_space<hbm>>) target(%dma_start3A_164 : memref<128xf32, #tpu.memory_space<vmem>>) offsets(%dma_start3A_167 : memref<128xi32, #tpu.memory_space<vmem>>) semaphore(%arg13 : memref<!tpu.dma_semaphore, #tpu.memory_space<semaphore_mem>>)
        } else {
        }
        %dma_wait3A_97 = arith.constant 0 : i32
        %dma_wait3A_98 = arith.constant 0 : i32
        %dma_wait3A_99 = arith.constant 0 : i32
        %dma_wait3A_100 = tpu.memref_slice %arg12[%dma_wait3A_97, %dma_wait3A_98, %dma_wait3A_99] : memref<2x128x128xf32, #tpu.memory_space<vmem>> -> memref<1x128x128xf32, #tpu.memory_space<vmem>>
        %dma_wait3A_101 = tpu.memref_squeeze %dma_wait3A_100 : memref<1x128x128xf32, #tpu.memory_space<vmem>> -> memref<128x128xf32, #tpu.memory_space<vmem>>
        %dma_wait3A_102 = arith.constant 0 : i32
        %dma_wait3A_103 = tpu.memref_slice %arg8[%scan3A_52, %dma_wait3A_102] : memref<79x128xi32, #tpu.memory_space<vmem>> -> memref<1x128xi32, #tpu.memory_space<vmem>>
        %dma_wait3A_104 = tpu.memref_squeeze %dma_wait3A_103 : memref<1x128xi32, #tpu.memory_space<vmem>> -> memref<128xi32, #tpu.memory_space<vmem>>
        %dma_wait3A_105 = arith.constant 0 : i32
        %dma_wait3A_106 = arith.constant 0 : i32
        %dma_wait3A_107 = tpu.memref_slice %arg2[%dma_wait3A_105, %dma_wait3A_106] : memref<10016x128xf32, #tpu.memory_space<hbm>> -> memref<10016x128xf32, #tpu.memory_space<hbm>>
        tpu.wait_indirect_dma semaphore(%arg14 : memref<!tpu.dma_semaphore, #tpu.memory_space<semaphore_mem>>) src(%dma_wait3A_107 : memref<10016x128xf32, #tpu.memory_space<hbm>>) dst(%dma_wait3A_101 : memref<128x128xf32, #tpu.memory_space<vmem>>)
        %dma_wait3A_108 = arith.constant 1 : i32
        %dma_wait3A_109 = arith.constant 0 : i32
        %dma_wait3A_110 = arith.constant 0 : i32
        %dma_wait3A_111 = tpu.memref_slice %arg12[%dma_wait3A_108, %dma_wait3A_109, %dma_wait3A_110] : memref<2x128x128xf32, #tpu.memory_space<vmem>> -> memref<1x128x128xf32, #tpu.memory_space<vmem>>
        %dma_wait3A_112 = tpu.memref_squeeze %dma_wait3A_111 : memref<1x128x128xf32, #tpu.memory_space<vmem>> -> memref<128x128xf32, #tpu.memory_space<vmem>>
        %dma_wait3A_113 = arith.constant 0 : i32
        %dma_wait3A_114 = tpu.memref_slice %arg9[%scan3A_52, %dma_wait3A_113] : memref<79x128xi32, #tpu.memory_space<vmem>> -> memref<1x128xi32, #tpu.memory_space<vmem>>
        %dma_wait3A_115 = tpu.memref_squeeze %dma_wait3A_114 : memref<1x128xi32, #tpu.memory_space<vmem>> -> memref<128xi32, #tpu.memory_space<vmem>>
        %dma_wait3A_116 = arith.constant 0 : i32
        %dma_wait3A_117 = arith.constant 0 : i32
        %dma_wait3A_118 = tpu.memref_slice %arg2[%dma_wait3A_116, %dma_wait3A_117] : memref<10016x128xf32, #tpu.memory_space<hbm>> -> memref<10016x128xf32, #tpu.memory_space<hbm>>
        tpu.wait_indirect_dma semaphore(%arg14 : memref<!tpu.dma_semaphore, #tpu.memory_space<semaphore_mem>>) src(%dma_wait3A_118 : memref<10016x128xf32, #tpu.memory_space<hbm>>) dst(%dma_wait3A_112 : memref<128x128xf32, #tpu.memory_space<vmem>>)
        %dma_wait3A_119 = arith.constant 0 : i32
        %dma_wait3A_120 = tpu.memref_slice %arg10[%scan3A_52, %dma_wait3A_119] : memref<79x128xf32, #tpu.memory_space<vmem>> -> memref<1x128xf32, #tpu.memory_space<vmem>>
        %dma_wait3A_121 = tpu.memref_squeeze %dma_wait3A_120 : memref<1x128xf32, #tpu.memory_space<vmem>> -> memref<128xf32, #tpu.memory_space<vmem>>
        %dma_wait3A_122 = arith.constant 0 : i32
        %dma_wait3A_123 = tpu.memref_slice %arg9[%scan3A_52, %dma_wait3A_122] : memref<79x128xi32, #tpu.memory_space<vmem>> -> memref<1x128xi32, #tpu.memory_space<vmem>>
        %dma_wait3A_124 = tpu.memref_squeeze %dma_wait3A_123 : memref<1x128xi32, #tpu.memory_space<vmem>> -> memref<128xi32, #tpu.memory_space<vmem>>
        %dma_wait3A_125 = arith.constant 0 : i32
        %dma_wait3A_126 = tpu.memref_slice %arg3[%dma_wait3A_125] : memref<10016xf32, #tpu.memory_space<hbm>> -> memref<10016xf32, #tpu.memory_space<hbm>>
        tpu.wait_indirect_dma semaphore(%arg14 : memref<!tpu.dma_semaphore, #tpu.memory_space<semaphore_mem>>) src(%dma_wait3A_126 : memref<10016xf32, #tpu.memory_space<hbm>>) dst(%dma_wait3A_121 : memref<128xf32, #tpu.memory_space<vmem>>)
        %add3A_127 = arith.addi %mul3A_2, %scan3A_52 : i32
        %dma_start3A_128 = arith.constant 0 : i32
        %dma_start3A_129 = arith.constant 0 : i32
        %dma_start3A_130 = arith.constant 0 : i32
        %dma_start3A_131 = tpu.memref_slice %arg6[%add3A_127, %dma_start3A_128, %dma_start3A_129, %dma_start3A_130] : memref<2528x2x128x128xf32, #tpu.memory_space<hbm>> -> memref<1x2x128x128xf32, #tpu.memory_space<hbm>>
        %dma_start3A_132 = tpu.memref_squeeze %dma_start3A_131 : memref<1x2x128x128xf32, #tpu.memory_space<hbm>> -> memref<2x128x128xf32, #tpu.memory_space<hbm>>
        %dma_start3A_133 = arith.constant 0 : i32
        %dma_start3A_134 = arith.constant 0 : i32
        %dma_start3A_135 = arith.constant 0 : i32
        %dma_start3A_136 = tpu.memref_slice %arg6[%add3A_127, %dma_start3A_133, %dma_start3A_134, %dma_start3A_135] : memref<2528x2x128x128xf32, #tpu.memory_space<hbm>> -> memref<1x2x128x128xf32, #tpu.memory_space<hbm>>
        %dma_start3A_137 = tpu.memref_squeeze %dma_start3A_136 : memref<1x2x128x128xf32, #tpu.memory_space<hbm>> -> memref<2x128x128xf32, #tpu.memory_space<hbm>>
        tpu.enqueue_dma source(%arg12 : memref<2x128x128xf32, #tpu.memory_space<vmem>>) target(%dma_start3A_137 : memref<2x128x128xf32, #tpu.memory_space<hbm>>) target_semaphore(%arg16 : memref<!tpu.dma_semaphore, #tpu.memory_space<semaphore_mem>>)
      } else {
      }
    }
    %scan3A_39 = arith.constant 79 : i32
    %add3A_40 = arith.constant 79 : i32
    %add3A_41 = arith.addi %mul3A_2, %add3A_40 : i32
    %sub3A = arith.constant 1 : i32
    %sub3A_42 = arith.subi %add3A_41, %sub3A : i32
    %dma_wait3A = arith.constant 0 : i32
    %dma_wait3A_43 = arith.constant 0 : i32
    %dma_wait3A_44 = arith.constant 0 : i32
    %dma_wait3A_45 = tpu.memref_slice %arg6[%sub3A_42, %dma_wait3A, %dma_wait3A_43, %dma_wait3A_44] : memref<2528x2x128x128xf32, #tpu.memory_space<hbm>> -> memref<1x2x128x128xf32, #tpu.memory_space<hbm>>
    %dma_wait3A_46 = tpu.memref_squeeze %dma_wait3A_45 : memref<1x2x128x128xf32, #tpu.memory_space<hbm>> -> memref<2x128x128xf32, #tpu.memory_space<hbm>>
    %dma_wait3A_47 = arith.constant 0 : i32
    %dma_wait3A_48 = arith.constant 0 : i32
    %dma_wait3A_49 = arith.constant 0 : i32
    %dma_wait3A_50 = tpu.memref_slice %arg6[%sub3A_42, %dma_wait3A_47, %dma_wait3A_48, %dma_wait3A_49] : memref<2528x2x128x128xf32, #tpu.memory_space<hbm>> -> memref<1x2x128x128xf32, #tpu.memory_space<hbm>>
    %dma_wait3A_51 = tpu.memref_squeeze %dma_wait3A_50 : memref<1x2x128x128xf32, #tpu.memory_space<hbm>> -> memref<2x128x128xf32, #tpu.memory_space<hbm>>
    tpu.wait_dma2 semaphore(%arg15 : memref<!tpu.dma_semaphore, #tpu.memory_space<semaphore_mem>>) src(%arg11 : memref<2x128x128xf32, #tpu.memory_space<vmem>>) dst(%dma_wait3A_51 : memref<2x128x128xf32, #tpu.memory_space<hbm>>)
    "tpu.region"() ({
      %run_scoped3A = tpu.sem_alloc : memref<!tpu.dma_semaphore, #tpu.memory_space<semaphore_mem>>
      %dma_start3A_52 = arith.constant 0 : i32
      %dma_start3A_53 = tpu.memref_slice %arg7[%mul3A_2, %dma_start3A_52] : memref<2528x128xf32, #tpu.memory_space<hbm>> -> memref<79x128xf32, #tpu.memory_space<hbm>>
      %dma_start3A_54 = arith.constant 0 : i32
      %dma_start3A_55 = tpu.memref_slice %arg7[%mul3A_2, %dma_start3A_54] : memref<2528x128xf32, #tpu.memory_space<hbm>> -> memref<79x128xf32, #tpu.memory_space<hbm>>
      tpu.enqueue_dma source(%arg10 : memref<79x128xf32, #tpu.memory_space<vmem>>) target(%dma_start3A_55 : memref<79x128xf32, #tpu.memory_space<hbm>>) target_semaphore(%run_scoped3A : memref<!tpu.dma_semaphore, #tpu.memory_space<semaphore_mem>>)
      %dma_wait3A_56 = arith.constant 0 : i32
      %dma_wait3A_57 = tpu.memref_slice %arg7[%mul3A_2, %dma_wait3A_56] : memref<2528x128xf32, #tpu.memory_space<hbm>> -> memref<79x128xf32, #tpu.memory_space<hbm>>
      %dma_wait3A_58 = arith.constant 0 : i32
      %dma_wait3A_59 = tpu.memref_slice %arg7[%mul3A_2, %dma_wait3A_58] : memref<2528x128xf32, #tpu.memory_space<hbm>> -> memref<79x128xf32, #tpu.memory_space<hbm>>
      tpu.wait_dma2 semaphore(%run_scoped3A : memref<!tpu.dma_semaphore, #tpu.memory_space<semaphore_mem>>) src(%arg10 : memref<79x128xf32, #tpu.memory_space<vmem>>) dst(%dma_wait3A_59 : memref<79x128xf32, #tpu.memory_space<hbm>>)
      tpu.yield
    }) : () -> ()
    return
  }
}

#map = affine_map<(d0, d1) -> (0, 0, 0)>
#map1 = affine_map<(d0, d1) -> (0, 0)>
#map2 = affine_map<(d0, d1) -> (0)>
module attributes {stable_mosaic.version = 14 : i64} {
  func.func @k(%arg0: i32, %arg1: i32, %arg2: memref<2528x128x128xf32, #tpu.memory_space<hbm>>, %arg3: memref<2528x128xf32, #tpu.memory_space<hbm>>, %arg4: memref<2528x128xi32, #tpu.memory_space<hbm>>, %arg5: memref<640x128xf32, #tpu.memory_space<hbm>>, %arg6: memref<640xf32, #tpu.memory_space<hbm>>, %arg7: memref<20480x128xf32, #tpu.memory_space<hbm>>, %arg8: memref<20480xf32, #tpu.memory_space<hbm>>, %arg9: memref<10240x128xf32, #tpu.memory_space<vmem_shared>>, %arg10: memref<10240xf32, #tpu.memory_space<vmem_shared>>, %arg11: memref<128xi32, #tpu.memory_space<vmem>>, %arg12: memref<128xi32, #tpu.memory_space<vmem>>, %arg13: memref<128x128xf32, #tpu.memory_space<vmem>>, %arg14: memref<128x128xf32, #tpu.memory_space<vmem>>, %arg15: memref<128xf32, #tpu.memory_space<vmem>>, %arg16: memref<128xf32, #tpu.memory_space<vmem>>, %arg17: memref<!tpu.dma_semaphore, #tpu.memory_space<semaphore_mem>>, %arg18: memref<!tpu.dma_semaphore, #tpu.memory_space<semaphore_mem>>) attributes {dimension_semantics = [#tpu.dimension_semantics<core_parallel>, #tpu.dimension_semantics<subcore_parallel>], iteration_bounds = array<i64: 2, 16>, scalar_prefetch = 0 : i64, scratch_operands = 10 : i64, tpu.core_type = #tpu.core_type<sc_vector_subcore>, window_params = [{transform_indices = #map}, {transform_indices = #map1}, {transform_indices = #map1}, {transform_indices = #map1}, {transform_indices = #map2}, {transform_indices = #map1}, {transform_indices = #map2}]} {
    %mul3A = arith.constant 2 : i32
    %mul3A_0 = arith.muli %arg1, %mul3A : i32
    %add3A = arith.addi %mul3A_0, %arg0 : i32
    %mul3A_1 = arith.constant 79 : i32
    %mul3A_2 = arith.muli %add3A, %mul3A_1 : i32
    %mul3A_3 = arith.constant 640 : i32
    %mul3A_4 = arith.muli %arg1, %mul3A_3 : i32
    "tpu.region"() ({
      %run_scoped3A = tpu.sem_alloc : memref<!tpu.dma_semaphore, #tpu.memory_space<semaphore_mem>>
      %dma_start3A_51 = arith.constant 0 : i32
      %dma_start3A_52 = tpu.memref_slice %arg9[%mul3A_4, %dma_start3A_51] : memref<10240x128xf32, #tpu.memory_space<vmem_shared>> -> memref<640x128xf32, #tpu.memory_space<vmem_shared>>
      tpu.enqueue_dma source(%arg5 : memref<640x128xf32, #tpu.memory_space<hbm>>) target(%dma_start3A_52 : memref<640x128xf32, #tpu.memory_space<vmem_shared>>) target_semaphore(%run_scoped3A : memref<!tpu.dma_semaphore, #tpu.memory_space<semaphore_mem>>)
      %dma_wait3A = arith.constant 0 : i32
      %dma_wait3A_53 = tpu.memref_slice %arg9[%mul3A_4, %dma_wait3A] : memref<10240x128xf32, #tpu.memory_space<vmem_shared>> -> memref<640x128xf32, #tpu.memory_space<vmem_shared>>
      tpu.wait_dma2 semaphore(%run_scoped3A : memref<!tpu.dma_semaphore, #tpu.memory_space<semaphore_mem>>) src(%arg5 : memref<640x128xf32, #tpu.memory_space<hbm>>) dst(%dma_wait3A_53 : memref<640x128xf32, #tpu.memory_space<vmem_shared>>)
      tpu.yield
    }) : () -> ()
    %mul3A_5 = arith.constant 640 : i32
    %mul3A_6 = arith.muli %arg1, %mul3A_5 : i32
    "tpu.region"() ({
      %run_scoped3A = tpu.sem_alloc : memref<!tpu.dma_semaphore, #tpu.memory_space<semaphore_mem>>
      %dma_start3A_51 = tpu.memref_slice %arg10[%mul3A_6] : memref<10240xf32, #tpu.memory_space<vmem_shared>> -> memref<640xf32, #tpu.memory_space<vmem_shared>>
      tpu.enqueue_dma source(%arg6 : memref<640xf32, #tpu.memory_space<hbm>>) target(%dma_start3A_51 : memref<640xf32, #tpu.memory_space<vmem_shared>>) target_semaphore(%run_scoped3A : memref<!tpu.dma_semaphore, #tpu.memory_space<semaphore_mem>>)
      %dma_wait3A = tpu.memref_slice %arg10[%mul3A_6] : memref<10240xf32, #tpu.memory_space<vmem_shared>> -> memref<640xf32, #tpu.memory_space<vmem_shared>>
      tpu.wait_dma2 semaphore(%run_scoped3A : memref<!tpu.dma_semaphore, #tpu.memory_space<semaphore_mem>>) src(%arg6 : memref<640xf32, #tpu.memory_space<hbm>>) dst(%dma_wait3A : memref<640xf32, #tpu.memory_space<vmem_shared>>)
      tpu.yield
    }) : () -> ()
    %barrier3A = arith.constant 0 : index
    tpu.barrier barrier_id(%barrier3A)
    %add3A_7 = arith.constant 0 : i32
    %add3A_8 = arith.addi %mul3A_2, %add3A_7 : i32
    %dma_start3A = arith.constant 0 : i32
    %dma_start3A_9 = arith.constant 0 : i32
    %dma_start3A_10 = tpu.memref_slice %arg2[%add3A_8, %dma_start3A, %dma_start3A_9] : memref<2528x128x128xf32, #tpu.memory_space<hbm>> -> memref<1x128x128xf32, #tpu.memory_space<hbm>>
    %dma_start3A_11 = tpu.memref_squeeze %dma_start3A_10 : memref<1x128x128xf32, #tpu.memory_space<hbm>> -> memref<128x128xf32, #tpu.memory_space<hbm>>
    %dma_start3A_12 = arith.constant 0 : i32
    %dma_start3A_13 = arith.constant 0 : i32
    %dma_start3A_14 = tpu.memref_slice %arg2[%add3A_8, %dma_start3A_12, %dma_start3A_13] : memref<2528x128x128xf32, #tpu.memory_space<hbm>> -> memref<1x128x128xf32, #tpu.memory_space<hbm>>
    %dma_start3A_15 = tpu.memref_squeeze %dma_start3A_14 : memref<1x128x128xf32, #tpu.memory_space<hbm>> -> memref<128x128xf32, #tpu.memory_space<hbm>>
    tpu.enqueue_dma source(%dma_start3A_15 : memref<128x128xf32, #tpu.memory_space<hbm>>) target(%arg13 : memref<128x128xf32, #tpu.memory_space<vmem>>) target_semaphore(%arg17 : memref<!tpu.dma_semaphore, #tpu.memory_space<semaphore_mem>>)
    %add3A_16 = arith.constant 0 : i32
    %add3A_17 = arith.addi %mul3A_2, %add3A_16 : i32
    %dma_start3A_18 = arith.constant 0 : i32
    %dma_start3A_19 = tpu.memref_slice %arg3[%add3A_17, %dma_start3A_18] : memref<2528x128xf32, #tpu.memory_space<hbm>> -> memref<1x128xf32, #tpu.memory_space<hbm>>
    %dma_start3A_20 = tpu.memref_squeeze %dma_start3A_19 : memref<1x128xf32, #tpu.memory_space<hbm>> -> memref<128xf32, #tpu.memory_space<hbm>>
    %dma_start3A_21 = arith.constant 0 : i32
    %dma_start3A_22 = tpu.memref_slice %arg3[%add3A_17, %dma_start3A_21] : memref<2528x128xf32, #tpu.memory_space<hbm>> -> memref<1x128xf32, #tpu.memory_space<hbm>>
    %dma_start3A_23 = tpu.memref_squeeze %dma_start3A_22 : memref<1x128xf32, #tpu.memory_space<hbm>> -> memref<128xf32, #tpu.memory_space<hbm>>
    tpu.enqueue_dma source(%dma_start3A_23 : memref<128xf32, #tpu.memory_space<hbm>>) target(%arg15 : memref<128xf32, #tpu.memory_space<vmem>>) target_semaphore(%arg17 : memref<!tpu.dma_semaphore, #tpu.memory_space<semaphore_mem>>)
    %add3A_24 = arith.constant 0 : i32
    %add3A_25 = arith.addi %mul3A_2, %add3A_24 : i32
    %dma_start3A_26 = arith.constant 0 : i32
    %dma_start3A_27 = tpu.memref_slice %arg4[%add3A_25, %dma_start3A_26] : memref<2528x128xi32, #tpu.memory_space<hbm>> -> memref<1x128xi32, #tpu.memory_space<hbm>>
    %dma_start3A_28 = tpu.memref_squeeze %dma_start3A_27 : memref<1x128xi32, #tpu.memory_space<hbm>> -> memref<128xi32, #tpu.memory_space<hbm>>
    %dma_start3A_29 = arith.constant 0 : i32
    %dma_start3A_30 = tpu.memref_slice %arg4[%add3A_25, %dma_start3A_29] : memref<2528x128xi32, #tpu.memory_space<hbm>> -> memref<1x128xi32, #tpu.memory_space<hbm>>
    %dma_start3A_31 = tpu.memref_squeeze %dma_start3A_30 : memref<1x128xi32, #tpu.memory_space<hbm>> -> memref<128xi32, #tpu.memory_space<hbm>>
    tpu.enqueue_dma source(%dma_start3A_31 : memref<128xi32, #tpu.memory_space<hbm>>) target(%arg11 : memref<128xi32, #tpu.memory_space<vmem>>) target_semaphore(%arg17 : memref<!tpu.dma_semaphore, #tpu.memory_space<semaphore_mem>>)
    %scan3A = arith.constant 0 : i32
    %scan3A_32 = arith.constant 79 : i32
    %scan3A_33 = arith.addi %scan3A, %scan3A_32 : i32
    %scan3A_34 = arith.constant 1 : i32
    scf.for %scan3A_51 = %scan3A to %scan3A_33 step %scan3A_34  : i32 {
      %jit3A = arith.constant 2 : i32
      %eq3A = arith.constant 0 : i32
      %eq3A_52 = arith.cmpi eq, %jit3A, %eq3A : i32
      %jit3A_53 = arith.constant 1 : i32
      %select_n3A = arith.select %eq3A_52, %jit3A_53, %jit3A : i32
      %rem3A = arith.remsi %scan3A_51, %select_n3A : i32
      %ne3A = arith.constant 0 : i32
      %ne3A_54 = arith.cmpi ne, %rem3A, %ne3A : i32
      %lt3A = arith.constant 0 : i32
      %lt3A_55 = arith.cmpi slt, %rem3A, %lt3A : i32
      %lt3A_56 = arith.constant 0 : i32
      %lt3A_57 = arith.cmpi slt, %select_n3A, %lt3A_56 : i32
      %ne3A_58 = arith.xori %lt3A_55, %lt3A_57 : i1
      %and3A = arith.andi %ne3A_58, %ne3A_54 : i1
      %add3A_59 = arith.addi %rem3A, %select_n3A : i32
      %select_n3A_60 = arith.select %and3A, %add3A_59, %rem3A : i32
      %eq3A_61 = arith.constant 0 : i32
      %eq3A_62 = arith.cmpi eq, %select_n3A_60, %eq3A_61 : i32
      %convert_element_type3A = arith.extui %eq3A_62 : i1 to i32
      %cond3A = arith.constant 0 : i32
      %cond3A_63 = arith.cmpi ne, %convert_element_type3A, %cond3A : i32
      scf.if %cond3A_63 {
        %add3A_85 = arith.constant 1 : i32
        %add3A_86 = arith.addi %scan3A_51, %add3A_85 : i32
        %lt3A_87 = arith.constant 79 : i32
        %lt3A_88 = arith.cmpi slt, %add3A_86, %lt3A_87 : i32
        %convert_element_type3A_89 = arith.extui %lt3A_88 : i1 to i32
        %cond3A_90 = arith.constant 0 : i32
        %cond3A_91 = arith.cmpi ne, %convert_element_type3A_89, %cond3A_90 : i32
        scf.if %cond3A_91 {
          %add3A_114 = arith.constant 1 : i32
          %add3A_115 = arith.addi %scan3A_51, %add3A_114 : i32
          %add3A_116 = arith.addi %mul3A_2, %add3A_115 : i32
          %dma_start3A_117 = arith.constant 0 : i32
          %dma_start3A_118 = arith.constant 0 : i32
          %dma_start3A_119 = tpu.memref_slice %arg2[%add3A_116, %dma_start3A_117, %dma_start3A_118] : memref<2528x128x128xf32, #tpu.memory_space<hbm>> -> memref<1x128x128xf32, #tpu.memory_space<hbm>>
          %dma_start3A_120 = tpu.memref_squeeze %dma_start3A_119 : memref<1x128x128xf32, #tpu.memory_space<hbm>> -> memref<128x128xf32, #tpu.memory_space<hbm>>
          %dma_start3A_121 = arith.constant 0 : i32
          %dma_start3A_122 = arith.constant 0 : i32
          %dma_start3A_123 = tpu.memref_slice %arg2[%add3A_116, %dma_start3A_121, %dma_start3A_122] : memref<2528x128x128xf32, #tpu.memory_space<hbm>> -> memref<1x128x128xf32, #tpu.memory_space<hbm>>
          %dma_start3A_124 = tpu.memref_squeeze %dma_start3A_123 : memref<1x128x128xf32, #tpu.memory_space<hbm>> -> memref<128x128xf32, #tpu.memory_space<hbm>>
          tpu.enqueue_dma source(%dma_start3A_124 : memref<128x128xf32, #tpu.memory_space<hbm>>) target(%arg14 : memref<128x128xf32, #tpu.memory_space<vmem>>) target_semaphore(%arg18 : memref<!tpu.dma_semaphore, #tpu.memory_space<semaphore_mem>>)
          %add3A_125 = arith.addi %mul3A_2, %add3A_115 : i32
          %dma_start3A_126 = arith.constant 0 : i32
          %dma_start3A_127 = tpu.memref_slice %arg3[%add3A_125, %dma_start3A_126] : memref<2528x128xf32, #tpu.memory_space<hbm>> -> memref<1x128xf32, #tpu.memory_space<hbm>>
          %dma_start3A_128 = tpu.memref_squeeze %dma_start3A_127 : memref<1x128xf32, #tpu.memory_space<hbm>> -> memref<128xf32, #tpu.memory_space<hbm>>
          %dma_start3A_129 = arith.constant 0 : i32
          %dma_start3A_130 = tpu.memref_slice %arg3[%add3A_125, %dma_start3A_129] : memref<2528x128xf32, #tpu.memory_space<hbm>> -> memref<1x128xf32, #tpu.memory_space<hbm>>
          %dma_start3A_131 = tpu.memref_squeeze %dma_start3A_130 : memref<1x128xf32, #tpu.memory_space<hbm>> -> memref<128xf32, #tpu.memory_space<hbm>>
          tpu.enqueue_dma source(%dma_start3A_131 : memref<128xf32, #tpu.memory_space<hbm>>) target(%arg16 : memref<128xf32, #tpu.memory_space<vmem>>) target_semaphore(%arg18 : memref<!tpu.dma_semaphore, #tpu.memory_space<semaphore_mem>>)
          %add3A_132 = arith.addi %mul3A_2, %add3A_115 : i32
          %dma_start3A_133 = arith.constant 0 : i32
          %dma_start3A_134 = tpu.memref_slice %arg4[%add3A_132, %dma_start3A_133] : memref<2528x128xi32, #tpu.memory_space<hbm>> -> memref<1x128xi32, #tpu.memory_space<hbm>>
          %dma_start3A_135 = tpu.memref_squeeze %dma_start3A_134 : memref<1x128xi32, #tpu.memory_space<hbm>> -> memref<128xi32, #tpu.memory_space<hbm>>
          %dma_start3A_136 = arith.constant 0 : i32
          %dma_start3A_137 = tpu.memref_slice %arg4[%add3A_132, %dma_start3A_136] : memref<2528x128xi32, #tpu.memory_space<hbm>> -> memref<1x128xi32, #tpu.memory_space<hbm>>
          %dma_start3A_138 = tpu.memref_squeeze %dma_start3A_137 : memref<1x128xi32, #tpu.memory_space<hbm>> -> memref<128xi32, #tpu.memory_space<hbm>>
          tpu.enqueue_dma source(%dma_start3A_138 : memref<128xi32, #tpu.memory_space<hbm>>) target(%arg12 : memref<128xi32, #tpu.memory_space<vmem>>) target_semaphore(%arg18 : memref<!tpu.dma_semaphore, #tpu.memory_space<semaphore_mem>>)
        } else {
        }
        %add3A_92 = arith.addi %mul3A_2, %scan3A_51 : i32
        %dma_wait3A = arith.constant 0 : i32
        %dma_wait3A_93 = arith.constant 0 : i32
        %dma_wait3A_94 = tpu.memref_slice %arg2[%add3A_92, %dma_wait3A, %dma_wait3A_93] : memref<2528x128x128xf32, #tpu.memory_space<hbm>> -> memref<1x128x128xf32, #tpu.memory_space<hbm>>
        %dma_wait3A_95 = tpu.memref_squeeze %dma_wait3A_94 : memref<1x128x128xf32, #tpu.memory_space<hbm>> -> memref<128x128xf32, #tpu.memory_space<hbm>>
        %dma_wait3A_96 = arith.constant 0 : i32
        %dma_wait3A_97 = arith.constant 0 : i32
        %dma_wait3A_98 = tpu.memref_slice %arg2[%add3A_92, %dma_wait3A_96, %dma_wait3A_97] : memref<2528x128x128xf32, #tpu.memory_space<hbm>> -> memref<1x128x128xf32, #tpu.memory_space<hbm>>
        %dma_wait3A_99 = tpu.memref_squeeze %dma_wait3A_98 : memref<1x128x128xf32, #tpu.memory_space<hbm>> -> memref<128x128xf32, #tpu.memory_space<hbm>>
        tpu.wait_dma2 semaphore(%arg17 : memref<!tpu.dma_semaphore, #tpu.memory_space<semaphore_mem>>) src(%dma_wait3A_99 : memref<128x128xf32, #tpu.memory_space<hbm>>) dst(%arg13 : memref<128x128xf32, #tpu.memory_space<vmem>>)
        %add3A_100 = arith.addi %mul3A_2, %scan3A_51 : i32
        %dma_wait3A_101 = arith.constant 0 : i32
        %dma_wait3A_102 = tpu.memref_slice %arg3[%add3A_100, %dma_wait3A_101] : memref<2528x128xf32, #tpu.memory_space<hbm>> -> memref<1x128xf32, #tpu.memory_space<hbm>>
        %dma_wait3A_103 = tpu.memref_squeeze %dma_wait3A_102 : memref<1x128xf32, #tpu.memory_space<hbm>> -> memref<128xf32, #tpu.memory_space<hbm>>
        %dma_wait3A_104 = arith.constant 0 : i32
        %dma_wait3A_105 = tpu.memref_slice %arg3[%add3A_100, %dma_wait3A_104] : memref<2528x128xf32, #tpu.memory_space<hbm>> -> memref<1x128xf32, #tpu.memory_space<hbm>>
        %dma_wait3A_106 = tpu.memref_squeeze %dma_wait3A_105 : memref<1x128xf32, #tpu.memory_space<hbm>> -> memref<128xf32, #tpu.memory_space<hbm>>
        tpu.wait_dma2 semaphore(%arg17 : memref<!tpu.dma_semaphore, #tpu.memory_space<semaphore_mem>>) src(%dma_wait3A_106 : memref<128xf32, #tpu.memory_space<hbm>>) dst(%arg15 : memref<128xf32, #tpu.memory_space<vmem>>)
        %add3A_107 = arith.addi %mul3A_2, %scan3A_51 : i32
        %dma_wait3A_108 = arith.constant 0 : i32
        %dma_wait3A_109 = tpu.memref_slice %arg4[%add3A_107, %dma_wait3A_108] : memref<2528x128xi32, #tpu.memory_space<hbm>> -> memref<1x128xi32, #tpu.memory_space<hbm>>
        %dma_wait3A_110 = tpu.memref_squeeze %dma_wait3A_109 : memref<1x128xi32, #tpu.memory_space<hbm>> -> memref<128xi32, #tpu.memory_space<hbm>>
        %dma_wait3A_111 = arith.constant 0 : i32
        %dma_wait3A_112 = tpu.memref_slice %arg4[%add3A_107, %dma_wait3A_111] : memref<2528x128xi32, #tpu.memory_space<hbm>> -> memref<1x128xi32, #tpu.memory_space<hbm>>
        %dma_wait3A_113 = tpu.memref_squeeze %dma_wait3A_112 : memref<1x128xi32, #tpu.memory_space<hbm>> -> memref<128xi32, #tpu.memory_space<hbm>>
        tpu.wait_dma2 semaphore(%arg17 : memref<!tpu.dma_semaphore, #tpu.memory_space<semaphore_mem>>) src(%dma_wait3A_113 : memref<128xi32, #tpu.memory_space<hbm>>) dst(%arg11 : memref<128xi32, #tpu.memory_space<vmem>>)
        "tpu.region"() ({
          %run_scoped3A = tpu.sem_alloc : memref<!tpu.dma_semaphore, #tpu.memory_space<semaphore_mem>>
          %dma_start3A_114 = arith.constant 0 : i32
          %dma_start3A_115 = arith.constant 0 : i32
          %dma_start3A_116 = tpu.memref_slice %arg9[%dma_start3A_114, %dma_start3A_115] : memref<10240x128xf32, #tpu.memory_space<vmem_shared>> -> memref<10240x128xf32, #tpu.memory_space<vmem_shared>>
          tpu.enqueue_indirect_dma source(%arg13 : memref<128x128xf32, #tpu.memory_space<vmem>>) target(%dma_start3A_116 : memref<10240x128xf32, #tpu.memory_space<vmem_shared>>) offsets(%arg11 : memref<128xi32, #tpu.memory_space<vmem>>) semaphore(%run_scoped3A : memref<!tpu.dma_semaphore, #tpu.memory_space<semaphore_mem>>) {add = true}
          %dma_wait3A_117 = arith.constant 0 : i32
          %dma_wait3A_118 = arith.constant 0 : i32
          %dma_wait3A_119 = tpu.memref_slice %arg9[%dma_wait3A_117, %dma_wait3A_118] : memref<10240x128xf32, #tpu.memory_space<vmem_shared>> -> memref<10240x128xf32, #tpu.memory_space<vmem_shared>>
          tpu.wait_indirect_dma semaphore(%run_scoped3A : memref<!tpu.dma_semaphore, #tpu.memory_space<semaphore_mem>>) src(%arg13 : memref<128x128xf32, #tpu.memory_space<vmem>>) dst(%dma_wait3A_119 : memref<10240x128xf32, #tpu.memory_space<vmem_shared>>)
          tpu.yield
        }) : () -> ()
        "tpu.region"() ({
          %run_scoped3A = tpu.sem_alloc : memref<!tpu.dma_semaphore, #tpu.memory_space<semaphore_mem>>
          %dma_start3A_114 = arith.constant 0 : i32
          %dma_start3A_115 = tpu.memref_slice %arg10[%dma_start3A_114] : memref<10240xf32, #tpu.memory_space<vmem_shared>> -> memref<10240xf32, #tpu.memory_space<vmem_shared>>
          tpu.enqueue_indirect_dma source(%arg15 : memref<128xf32, #tpu.memory_space<vmem>>) target(%dma_start3A_115 : memref<10240xf32, #tpu.memory_space<vmem_shared>>) offsets(%arg11 : memref<128xi32, #tpu.memory_space<vmem>>) semaphore(%run_scoped3A : memref<!tpu.dma_semaphore, #tpu.memory_space<semaphore_mem>>) {add = true}
          %dma_wait3A_116 = arith.constant 0 : i32
          %dma_wait3A_117 = tpu.memref_slice %arg10[%dma_wait3A_116] : memref<10240xf32, #tpu.memory_space<vmem_shared>> -> memref<10240xf32, #tpu.memory_space<vmem_shared>>
          tpu.wait_indirect_dma semaphore(%run_scoped3A : memref<!tpu.dma_semaphore, #tpu.memory_space<semaphore_mem>>) src(%arg15 : memref<128xf32, #tpu.memory_space<vmem>>) dst(%dma_wait3A_117 : memref<10240xf32, #tpu.memory_space<vmem_shared>>)
          tpu.yield
        }) : () -> ()
      } else {
      }
      %jit3A_64 = arith.constant 2 : i32
      %eq3A_65 = arith.constant 0 : i32
      %eq3A_66 = arith.cmpi eq, %jit3A_64, %eq3A_65 : i32
      %jit3A_67 = arith.constant 1 : i32
      %select_n3A_68 = arith.select %eq3A_66, %jit3A_67, %jit3A_64 : i32
      %rem3A_69 = arith.remsi %scan3A_51, %select_n3A_68 : i32
      %ne3A_70 = arith.constant 0 : i32
      %ne3A_71 = arith.cmpi ne, %rem3A_69, %ne3A_70 : i32
      %lt3A_72 = arith.constant 0 : i32
      %lt3A_73 = arith.cmpi slt, %rem3A_69, %lt3A_72 : i32
      %lt3A_74 = arith.constant 0 : i32
      %lt3A_75 = arith.cmpi slt, %select_n3A_68, %lt3A_74 : i32
      %ne3A_76 = arith.xori %lt3A_73, %lt3A_75 : i1
      %and3A_77 = arith.andi %ne3A_76, %ne3A_71 : i1
      %add3A_78 = arith.addi %rem3A_69, %select_n3A_68 : i32
      %select_n3A_79 = arith.select %and3A_77, %add3A_78, %rem3A_69 : i32
      %eq3A_80 = arith.constant 1 : i32
      %eq3A_81 = arith.cmpi eq, %select_n3A_79, %eq3A_80 : i32
      %convert_element_type3A_82 = arith.extui %eq3A_81 : i1 to i32
      %cond3A_83 = arith.constant 0 : i32
      %cond3A_84 = arith.cmpi ne, %convert_element_type3A_82, %cond3A_83 : i32
      scf.if %cond3A_84 {
        %add3A_85 = arith.constant 1 : i32
        %add3A_86 = arith.addi %scan3A_51, %add3A_85 : i32
        %lt3A_87 = arith.constant 79 : i32
        %lt3A_88 = arith.cmpi slt, %add3A_86, %lt3A_87 : i32
        %convert_element_type3A_89 = arith.extui %lt3A_88 : i1 to i32
        %cond3A_90 = arith.constant 0 : i32
        %cond3A_91 = arith.cmpi ne, %convert_element_type3A_89, %cond3A_90 : i32
        scf.if %cond3A_91 {
          %add3A_114 = arith.constant 1 : i32
          %add3A_115 = arith.addi %scan3A_51, %add3A_114 : i32
          %add3A_116 = arith.addi %mul3A_2, %add3A_115 : i32
          %dma_start3A_117 = arith.constant 0 : i32
          %dma_start3A_118 = arith.constant 0 : i32
          %dma_start3A_119 = tpu.memref_slice %arg2[%add3A_116, %dma_start3A_117, %dma_start3A_118] : memref<2528x128x128xf32, #tpu.memory_space<hbm>> -> memref<1x128x128xf32, #tpu.memory_space<hbm>>
          %dma_start3A_120 = tpu.memref_squeeze %dma_start3A_119 : memref<1x128x128xf32, #tpu.memory_space<hbm>> -> memref<128x128xf32, #tpu.memory_space<hbm>>
          %dma_start3A_121 = arith.constant 0 : i32
          %dma_start3A_122 = arith.constant 0 : i32
          %dma_start3A_123 = tpu.memref_slice %arg2[%add3A_116, %dma_start3A_121, %dma_start3A_122] : memref<2528x128x128xf32, #tpu.memory_space<hbm>> -> memref<1x128x128xf32, #tpu.memory_space<hbm>>
          %dma_start3A_124 = tpu.memref_squeeze %dma_start3A_123 : memref<1x128x128xf32, #tpu.memory_space<hbm>> -> memref<128x128xf32, #tpu.memory_space<hbm>>
          tpu.enqueue_dma source(%dma_start3A_124 : memref<128x128xf32, #tpu.memory_space<hbm>>) target(%arg13 : memref<128x128xf32, #tpu.memory_space<vmem>>) target_semaphore(%arg17 : memref<!tpu.dma_semaphore, #tpu.memory_space<semaphore_mem>>)
          %add3A_125 = arith.addi %mul3A_2, %add3A_115 : i32
          %dma_start3A_126 = arith.constant 0 : i32
          %dma_start3A_127 = tpu.memref_slice %arg3[%add3A_125, %dma_start3A_126] : memref<2528x128xf32, #tpu.memory_space<hbm>> -> memref<1x128xf32, #tpu.memory_space<hbm>>
          %dma_start3A_128 = tpu.memref_squeeze %dma_start3A_127 : memref<1x128xf32, #tpu.memory_space<hbm>> -> memref<128xf32, #tpu.memory_space<hbm>>
          %dma_start3A_129 = arith.constant 0 : i32
          %dma_start3A_130 = tpu.memref_slice %arg3[%add3A_125, %dma_start3A_129] : memref<2528x128xf32, #tpu.memory_space<hbm>> -> memref<1x128xf32, #tpu.memory_space<hbm>>
          %dma_start3A_131 = tpu.memref_squeeze %dma_start3A_130 : memref<1x128xf32, #tpu.memory_space<hbm>> -> memref<128xf32, #tpu.memory_space<hbm>>
          tpu.enqueue_dma source(%dma_start3A_131 : memref<128xf32, #tpu.memory_space<hbm>>) target(%arg15 : memref<128xf32, #tpu.memory_space<vmem>>) target_semaphore(%arg17 : memref<!tpu.dma_semaphore, #tpu.memory_space<semaphore_mem>>)
          %add3A_132 = arith.addi %mul3A_2, %add3A_115 : i32
          %dma_start3A_133 = arith.constant 0 : i32
          %dma_start3A_134 = tpu.memref_slice %arg4[%add3A_132, %dma_start3A_133] : memref<2528x128xi32, #tpu.memory_space<hbm>> -> memref<1x128xi32, #tpu.memory_space<hbm>>
          %dma_start3A_135 = tpu.memref_squeeze %dma_start3A_134 : memref<1x128xi32, #tpu.memory_space<hbm>> -> memref<128xi32, #tpu.memory_space<hbm>>
          %dma_start3A_136 = arith.constant 0 : i32
          %dma_start3A_137 = tpu.memref_slice %arg4[%add3A_132, %dma_start3A_136] : memref<2528x128xi32, #tpu.memory_space<hbm>> -> memref<1x128xi32, #tpu.memory_space<hbm>>
          %dma_start3A_138 = tpu.memref_squeeze %dma_start3A_137 : memref<1x128xi32, #tpu.memory_space<hbm>> -> memref<128xi32, #tpu.memory_space<hbm>>
          tpu.enqueue_dma source(%dma_start3A_138 : memref<128xi32, #tpu.memory_space<hbm>>) target(%arg11 : memref<128xi32, #tpu.memory_space<vmem>>) target_semaphore(%arg17 : memref<!tpu.dma_semaphore, #tpu.memory_space<semaphore_mem>>)
        } else {
        }
        %add3A_92 = arith.addi %mul3A_2, %scan3A_51 : i32
        %dma_wait3A = arith.constant 0 : i32
        %dma_wait3A_93 = arith.constant 0 : i32
        %dma_wait3A_94 = tpu.memref_slice %arg2[%add3A_92, %dma_wait3A, %dma_wait3A_93] : memref<2528x128x128xf32, #tpu.memory_space<hbm>> -> memref<1x128x128xf32, #tpu.memory_space<hbm>>
        %dma_wait3A_95 = tpu.memref_squeeze %dma_wait3A_94 : memref<1x128x128xf32, #tpu.memory_space<hbm>> -> memref<128x128xf32, #tpu.memory_space<hbm>>
        %dma_wait3A_96 = arith.constant 0 : i32
        %dma_wait3A_97 = arith.constant 0 : i32
        %dma_wait3A_98 = tpu.memref_slice %arg2[%add3A_92, %dma_wait3A_96, %dma_wait3A_97] : memref<2528x128x128xf32, #tpu.memory_space<hbm>> -> memref<1x128x128xf32, #tpu.memory_space<hbm>>
        %dma_wait3A_99 = tpu.memref_squeeze %dma_wait3A_98 : memref<1x128x128xf32, #tpu.memory_space<hbm>> -> memref<128x128xf32, #tpu.memory_space<hbm>>
        tpu.wait_dma2 semaphore(%arg18 : memref<!tpu.dma_semaphore, #tpu.memory_space<semaphore_mem>>) src(%dma_wait3A_99 : memref<128x128xf32, #tpu.memory_space<hbm>>) dst(%arg14 : memref<128x128xf32, #tpu.memory_space<vmem>>)
        %add3A_100 = arith.addi %mul3A_2, %scan3A_51 : i32
        %dma_wait3A_101 = arith.constant 0 : i32
        %dma_wait3A_102 = tpu.memref_slice %arg3[%add3A_100, %dma_wait3A_101] : memref<2528x128xf32, #tpu.memory_space<hbm>> -> memref<1x128xf32, #tpu.memory_space<hbm>>
        %dma_wait3A_103 = tpu.memref_squeeze %dma_wait3A_102 : memref<1x128xf32, #tpu.memory_space<hbm>> -> memref<128xf32, #tpu.memory_space<hbm>>
        %dma_wait3A_104 = arith.constant 0 : i32
        %dma_wait3A_105 = tpu.memref_slice %arg3[%add3A_100, %dma_wait3A_104] : memref<2528x128xf32, #tpu.memory_space<hbm>> -> memref<1x128xf32, #tpu.memory_space<hbm>>
        %dma_wait3A_106 = tpu.memref_squeeze %dma_wait3A_105 : memref<1x128xf32, #tpu.memory_space<hbm>> -> memref<128xf32, #tpu.memory_space<hbm>>
        tpu.wait_dma2 semaphore(%arg18 : memref<!tpu.dma_semaphore, #tpu.memory_space<semaphore_mem>>) src(%dma_wait3A_106 : memref<128xf32, #tpu.memory_space<hbm>>) dst(%arg16 : memref<128xf32, #tpu.memory_space<vmem>>)
        %add3A_107 = arith.addi %mul3A_2, %scan3A_51 : i32
        %dma_wait3A_108 = arith.constant 0 : i32
        %dma_wait3A_109 = tpu.memref_slice %arg4[%add3A_107, %dma_wait3A_108] : memref<2528x128xi32, #tpu.memory_space<hbm>> -> memref<1x128xi32, #tpu.memory_space<hbm>>
        %dma_wait3A_110 = tpu.memref_squeeze %dma_wait3A_109 : memref<1x128xi32, #tpu.memory_space<hbm>> -> memref<128xi32, #tpu.memory_space<hbm>>
        %dma_wait3A_111 = arith.constant 0 : i32
        %dma_wait3A_112 = tpu.memref_slice %arg4[%add3A_107, %dma_wait3A_111] : memref<2528x128xi32, #tpu.memory_space<hbm>> -> memref<1x128xi32, #tpu.memory_space<hbm>>
        %dma_wait3A_113 = tpu.memref_squeeze %dma_wait3A_112 : memref<1x128xi32, #tpu.memory_space<hbm>> -> memref<128xi32, #tpu.memory_space<hbm>>
        tpu.wait_dma2 semaphore(%arg18 : memref<!tpu.dma_semaphore, #tpu.memory_space<semaphore_mem>>) src(%dma_wait3A_113 : memref<128xi32, #tpu.memory_space<hbm>>) dst(%arg12 : memref<128xi32, #tpu.memory_space<vmem>>)
        "tpu.region"() ({
          %run_scoped3A = tpu.sem_alloc : memref<!tpu.dma_semaphore, #tpu.memory_space<semaphore_mem>>
          %dma_start3A_114 = arith.constant 0 : i32
          %dma_start3A_115 = arith.constant 0 : i32
          %dma_start3A_116 = tpu.memref_slice %arg9[%dma_start3A_114, %dma_start3A_115] : memref<10240x128xf32, #tpu.memory_space<vmem_shared>> -> memref<10240x128xf32, #tpu.memory_space<vmem_shared>>
          tpu.enqueue_indirect_dma source(%arg14 : memref<128x128xf32, #tpu.memory_space<vmem>>) target(%dma_start3A_116 : memref<10240x128xf32, #tpu.memory_space<vmem_shared>>) offsets(%arg12 : memref<128xi32, #tpu.memory_space<vmem>>) semaphore(%run_scoped3A : memref<!tpu.dma_semaphore, #tpu.memory_space<semaphore_mem>>) {add = true}
          %dma_wait3A_117 = arith.constant 0 : i32
          %dma_wait3A_118 = arith.constant 0 : i32
          %dma_wait3A_119 = tpu.memref_slice %arg9[%dma_wait3A_117, %dma_wait3A_118] : memref<10240x128xf32, #tpu.memory_space<vmem_shared>> -> memref<10240x128xf32, #tpu.memory_space<vmem_shared>>
          tpu.wait_indirect_dma semaphore(%run_scoped3A : memref<!tpu.dma_semaphore, #tpu.memory_space<semaphore_mem>>) src(%arg14 : memref<128x128xf32, #tpu.memory_space<vmem>>) dst(%dma_wait3A_119 : memref<10240x128xf32, #tpu.memory_space<vmem_shared>>)
          tpu.yield
        }) : () -> ()
        "tpu.region"() ({
          %run_scoped3A = tpu.sem_alloc : memref<!tpu.dma_semaphore, #tpu.memory_space<semaphore_mem>>
          %dma_start3A_114 = arith.constant 0 : i32
          %dma_start3A_115 = tpu.memref_slice %arg10[%dma_start3A_114] : memref<10240xf32, #tpu.memory_space<vmem_shared>> -> memref<10240xf32, #tpu.memory_space<vmem_shared>>
          tpu.enqueue_indirect_dma source(%arg16 : memref<128xf32, #tpu.memory_space<vmem>>) target(%dma_start3A_115 : memref<10240xf32, #tpu.memory_space<vmem_shared>>) offsets(%arg12 : memref<128xi32, #tpu.memory_space<vmem>>) semaphore(%run_scoped3A : memref<!tpu.dma_semaphore, #tpu.memory_space<semaphore_mem>>) {add = true}
          %dma_wait3A_116 = arith.constant 0 : i32
          %dma_wait3A_117 = tpu.memref_slice %arg10[%dma_wait3A_116] : memref<10240xf32, #tpu.memory_space<vmem_shared>> -> memref<10240xf32, #tpu.memory_space<vmem_shared>>
          tpu.wait_indirect_dma semaphore(%run_scoped3A : memref<!tpu.dma_semaphore, #tpu.memory_space<semaphore_mem>>) src(%arg16 : memref<128xf32, #tpu.memory_space<vmem>>) dst(%dma_wait3A_117 : memref<10240xf32, #tpu.memory_space<vmem_shared>>)
          tpu.yield
        }) : () -> ()
      } else {
      }
    }
    %scan3A_35 = arith.constant 79 : i32
    %barrier3A_36 = arith.constant 0 : index
    tpu.barrier barrier_id(%barrier3A_36)
    %mul3A_37 = arith.constant 640 : i32
    %mul3A_38 = arith.muli %arg1, %mul3A_37 : i32
    %mul3A_39 = arith.constant 10240 : i32
    %mul3A_40 = arith.muli %arg0, %mul3A_39 : i32
    %mul3A_41 = arith.constant 640 : i32
    %mul3A_42 = arith.muli %arg1, %mul3A_41 : i32
    %add3A_43 = arith.addi %mul3A_40, %mul3A_42 : i32
    "tpu.region"() ({
      %run_scoped3A = tpu.sem_alloc : memref<!tpu.dma_semaphore, #tpu.memory_space<semaphore_mem>>
      %dma_start3A_51 = arith.constant 0 : i32
      %dma_start3A_52 = tpu.memref_slice %arg7[%add3A_43, %dma_start3A_51] : memref<20480x128xf32, #tpu.memory_space<hbm>> -> memref<640x128xf32, #tpu.memory_space<hbm>>
      %dma_start3A_53 = arith.constant 0 : i32
      %dma_start3A_54 = tpu.memref_slice %arg9[%mul3A_38, %dma_start3A_53] : memref<10240x128xf32, #tpu.memory_space<vmem_shared>> -> memref<640x128xf32, #tpu.memory_space<vmem_shared>>
      tpu.enqueue_dma source(%dma_start3A_54 : memref<640x128xf32, #tpu.memory_space<vmem_shared>>) target(%dma_start3A_52 : memref<640x128xf32, #tpu.memory_space<hbm>>) target_semaphore(%run_scoped3A : memref<!tpu.dma_semaphore, #tpu.memory_space<semaphore_mem>>)
      %dma_wait3A = arith.constant 0 : i32
      %dma_wait3A_55 = tpu.memref_slice %arg7[%add3A_43, %dma_wait3A] : memref<20480x128xf32, #tpu.memory_space<hbm>> -> memref<640x128xf32, #tpu.memory_space<hbm>>
      %dma_wait3A_56 = arith.constant 0 : i32
      %dma_wait3A_57 = tpu.memref_slice %arg9[%mul3A_38, %dma_wait3A_56] : memref<10240x128xf32, #tpu.memory_space<vmem_shared>> -> memref<640x128xf32, #tpu.memory_space<vmem_shared>>
      tpu.wait_dma2 semaphore(%run_scoped3A : memref<!tpu.dma_semaphore, #tpu.memory_space<semaphore_mem>>) src(%dma_wait3A_57 : memref<640x128xf32, #tpu.memory_space<vmem_shared>>) dst(%dma_wait3A_55 : memref<640x128xf32, #tpu.memory_space<hbm>>)
      tpu.yield
    }) : () -> ()
    %mul3A_44 = arith.constant 640 : i32
    %mul3A_45 = arith.muli %arg1, %mul3A_44 : i32
    %mul3A_46 = arith.constant 10240 : i32
    %mul3A_47 = arith.muli %arg0, %mul3A_46 : i32
    %mul3A_48 = arith.constant 640 : i32
    %mul3A_49 = arith.muli %arg1, %mul3A_48 : i32
    %add3A_50 = arith.addi %mul3A_47, %mul3A_49 : i32
    "tpu.region"() ({
      %run_scoped3A = tpu.sem_alloc : memref<!tpu.dma_semaphore, #tpu.memory_space<semaphore_mem>>
      %dma_start3A_51 = tpu.memref_slice %arg8[%add3A_50] : memref<20480xf32, #tpu.memory_space<hbm>> -> memref<640xf32, #tpu.memory_space<hbm>>
      %dma_start3A_52 = tpu.memref_slice %arg10[%mul3A_45] : memref<10240xf32, #tpu.memory_space<vmem_shared>> -> memref<640xf32, #tpu.memory_space<vmem_shared>>
      tpu.enqueue_dma source(%dma_start3A_52 : memref<640xf32, #tpu.memory_space<vmem_shared>>) target(%dma_start3A_51 : memref<640xf32, #tpu.memory_space<hbm>>) target_semaphore(%run_scoped3A : memref<!tpu.dma_semaphore, #tpu.memory_space<semaphore_mem>>)
      %dma_wait3A = tpu.memref_slice %arg8[%add3A_50] : memref<20480xf32, #tpu.memory_space<hbm>> -> memref<640xf32, #tpu.memory_space<hbm>>
      %dma_wait3A_53 = tpu.memref_slice %arg10[%mul3A_45] : memref<10240xf32, #tpu.memory_space<vmem_shared>> -> memref<640xf32, #tpu.memory_space<vmem_shared>>
      tpu.wait_dma2 semaphore(%run_scoped3A : memref<!tpu.dma_semaphore, #tpu.memory_space<semaphore_mem>>) src(%dma_wait3A_53 : memref<640xf32, #tpu.memory_space<vmem_shared>>) dst(%dma_wait3A : memref<640xf32, #tpu.memory_space<hbm>>)
      tpu.yield
    }) : () -> ()
    return
  }
}

module attributes {stable_mosaic.version = 14 : i64} {
  func.func @body(%arg0: i32, %arg1: memref<8x2x128x128xf32, #tpu.memory_space<vmem>>, %arg2: memref<1x8x128xf32, #tpu.memory_space<vmem>>, %arg3: memref<256x256xbf16, #tpu.memory_space<vmem>>, %arg4: memref<1x256xf32, #tpu.memory_space<vmem>>, %arg5: memref<256x1xbf16, #tpu.memory_space<vmem>>, %arg6: memref<1x1xf32, #tpu.memory_space<vmem>>, %arg7: memref<256x256xbf16, #tpu.memory_space<vmem>>, %arg8: memref<1x256xf32, #tpu.memory_space<vmem>>, %arg9: memref<256x128xbf16, #tpu.memory_space<vmem>>, %arg10: memref<1x128xf32, #tpu.memory_space<vmem>>, %arg11: memref<1024x128xf32, #tpu.memory_space<vmem>>, %arg12: memref<1x8x128xf32, #tpu.memory_space<vmem>>) attributes {dimension_semantics = [#tpu.dimension_semantics<arbitrary>], iteration_bounds = array<i64: 316>, scalar_prefetch = 0 : i64, scratch_operands = 0 : i64, tpu.core_type = #tpu.core_type<tc>, window_params = [{transform_indices = @transform_0, window_bounds = array<i64: 8, 2, 128, 128>}, {transform_indices = @transform_1, window_bounds = array<i64: 1, 8, 128>}, {pipeline_mode = #tpu.pipeline_mode<synchronous>, transform_indices = @transform_2, window_bounds = array<i64: 256, 256>}, {pipeline_mode = #tpu.pipeline_mode<synchronous>, transform_indices = @transform_3, window_bounds = array<i64: 1, 256>}, {pipeline_mode = #tpu.pipeline_mode<synchronous>, transform_indices = @transform_4, window_bounds = array<i64: 256, 1>}, {pipeline_mode = #tpu.pipeline_mode<synchronous>, transform_indices = @transform_5, window_bounds = array<i64: 1, 1>}, {pipeline_mode = #tpu.pipeline_mode<synchronous>, transform_indices = @transform_6, window_bounds = array<i64: 256, 256>}, {pipeline_mode = #tpu.pipeline_mode<synchronous>, transform_indices = @transform_7, window_bounds = array<i64: 1, 256>}, {pipeline_mode = #tpu.pipeline_mode<synchronous>, transform_indices = @transform_8, window_bounds = array<i64: 256, 128>}, {pipeline_mode = #tpu.pipeline_mode<synchronous>, transform_indices = @transform_9, window_bounds = array<i64: 1, 128>}, {transform_indices = @transform_10, window_bounds = array<i64: 1024, 128>}, {transform_indices = @transform_11, window_bounds = array<i64: 1, 8, 128>}]} {
    %get3A = arith.constant 0 : index
    %get3A_0 = arith.constant 0 : index
    %get3A_1 = arith.constant 0 : index
    %get3A_2 = arith.constant 0 : index
    %get3A_3 = vector.load %arg1[%get3A, %get3A_0, %get3A_1, %get3A_2] : memref<8x2x128x128xf32, #tpu.memory_space<vmem>>, vector<8x2x128x128xf32>
    %slice3A = vector.extract_strided_slice %get3A_3 {offsets = [0, 0, 0, 0], sizes = [8, 1, 128, 128], strides = [1, 1, 1, 1]} : vector<8x2x128x128xf32> to vector<8x1x128x128xf32>
    %squeeze3A = vector.shape_cast %slice3A : vector<8x1x128x128xf32> to vector<8x128x128xf32>
    %reshape3A = vector.shape_cast %squeeze3A : vector<8x128x128xf32> to vector<1024x128xf32>
    %slice3A_4 = vector.extract_strided_slice %get3A_3 {offsets = [0, 1, 0, 0], sizes = [8, 1, 128, 128], strides = [1, 1, 1, 1]} : vector<8x2x128x128xf32> to vector<8x1x128x128xf32>
    %squeeze3A_5 = vector.shape_cast %slice3A_4 : vector<8x1x128x128xf32> to vector<8x128x128xf32>
    %reshape3A_6 = vector.shape_cast %squeeze3A_5 : vector<8x128x128xf32> to vector<1024x128xf32>
    %convert_element_type3A = arith.truncf %reshape3A : vector<1024x128xf32> to vector<1024x128xbf16>
    %convert_element_type3A_7 = arith.truncf %reshape3A_6 : vector<1024x128xf32> to vector<1024x128xbf16>
    %concatenate3A = tpu.concatenate %convert_element_type3A, %convert_element_type3A_7 in 1 : vector<1024x128xbf16>, vector<1024x128xbf16> -> vector<1024x256xbf16>
    %get3A_8 = arith.constant 0 : index
    %get3A_9 = arith.constant 0 : index
    %get3A_10 = vector.load %arg3[%get3A_8, %get3A_9] : memref<256x256xbf16, #tpu.memory_space<vmem>>, vector<256x256xbf16>
    %dot_general3A = arith.constant dense<0.000000e+00> : vector<1024x256xf32>
    %dot_general3A_11 = tpu.matmul %concatenate3A, %get3A_10, %dot_general3A {dimension_numbers = #tpu.dot_dimension_numbers<[1], [0], [0], [1], [0, 0, 1, 1], [], []>, transpose_lhs_hint = false} : vector<1024x256xbf16>, vector<256x256xbf16>, vector<1024x256xf32> -> vector<1024x256xf32>
    %get3A_12 = arith.constant 0 : index
    %get3A_13 = arith.constant 0 : index
    %get3A_14 = vector.load %arg4[%get3A_12, %get3A_13] : memref<1x256xf32, #tpu.memory_space<vmem>>, vector<1x256xf32>
    %add3A = vector.broadcast %get3A_14 : vector<1x256xf32> to vector<1024x256xf32>
    %add3A_15 = arith.addf %dot_general3A_11, %add3A : vector<1024x256xf32>
    %ge3A = arith.constant 0.000000e+00 : f32
    %ge3A_16 = vector.broadcast %ge3A : f32 to vector<1024x256xf32>
    %ge3A_17 = arith.cmpf oge, %add3A_15, %ge3A_16 : vector<1024x256xf32>
    %mul3A = arith.constant 0.00999999977 : f32
    %mul3A_18 = vector.broadcast %mul3A : f32 to vector<1024x256xf32>
    %mul3A_19 = arith.mulf %mul3A_18, %add3A_15 : vector<1024x256xf32>
    %select_n3A = arith.select %ge3A_17, %add3A_15, %mul3A_19 : vector<1024x256xi1>, vector<1024x256xf32>
    %convert_element_type3A_20 = arith.truncf %select_n3A : vector<1024x256xf32> to vector<1024x256xbf16>
    %get3A_21 = arith.constant 0 : index
    %get3A_22 = arith.constant 0 : index
    %get3A_23 = vector.load %arg5[%get3A_21, %get3A_22] : memref<256x1xbf16, #tpu.memory_space<vmem>>, vector<256x1xbf16>
    %dot_general3A_24 = arith.constant dense<0.000000e+00> : vector<1024x1xf32>
    %dot_general3A_25 = tpu.matmul %convert_element_type3A_20, %get3A_23, %dot_general3A_24 {dimension_numbers = #tpu.dot_dimension_numbers<[1], [0], [0], [1], [0, 0, 1, 1], [], []>, transpose_lhs_hint = false} : vector<1024x256xbf16>, vector<256x1xbf16>, vector<1024x1xf32> -> vector<1024x1xf32>
    %get3A_26 = arith.constant 0 : index
    %get3A_27 = arith.constant 0 : index
    %get3A_28 = vector.load %arg6[%get3A_26, %get3A_27] : memref<1x1xf32, #tpu.memory_space<vmem>>, vector<1x1xf32>
    %add3A_29 = vector.broadcast %get3A_28 : vector<1x1xf32> to vector<1024x1xf32>
    %add3A_30 = arith.addf %dot_general3A_25, %add3A_29 : vector<1024x1xf32>
    %get3A_31 = arith.constant 0 : index
    %get3A_32 = arith.constant 0 : index
    %get3A_33 = arith.constant 0 : index
    %get3A_34 = vector.load %arg2[%get3A_31, %get3A_32, %get3A_33] : memref<1x8x128xf32, #tpu.memory_space<vmem>>, vector<1x8x128xf32>
    %reshape3A_35 = vector.shape_cast %get3A_34 : vector<1x8x128xf32> to vector<8x128xf32>
    %reshape3A_36 = vector.shape_cast %reshape3A_35 : vector<8x128xf32> to vector<8x1x128xf32>
    %broadcast_in_dim3A = vector.shape_cast %reshape3A_36 : vector<8x1x128xf32> to vector<8x1x128xf32>
    %broadcast_in_dim3A_37 = vector.broadcast %broadcast_in_dim3A : vector<8x1x128xf32> to vector<8x128x128xf32>
    %reshape3A_38 = vector.shape_cast %broadcast_in_dim3A_37 : vector<8x128x128xf32> to vector<1024x128xf32>
    %iota3A = tpu.iota {dimensions = array<i32: 0>} : vector<1024x128xi32>
    %iota3A_39 = tpu.iota {dimensions = array<i32: 1>} : vector<1024x128xi32>
    %jit3A = arith.constant 128 : i32
    %eq3A = arith.constant 0 : i32
    %eq3A_40 = arith.cmpi eq, %jit3A, %eq3A : i32
    %jit3A_41 = arith.constant 1 : i32
    %select_n3A_42 = arith.select %eq3A_40, %jit3A_41, %jit3A : i32
    %rem3A = vector.broadcast %select_n3A_42 : i32 to vector<1024x128xi32>
    %rem3A_43 = arith.remsi %iota3A, %rem3A : vector<1024x128xi32>
    %ne3A = arith.constant 0 : i32
    %ne3A_44 = vector.broadcast %ne3A : i32 to vector<1024x128xi32>
    %ne3A_45 = arith.cmpi ne, %rem3A_43, %ne3A_44 : vector<1024x128xi32>
    %lt3A = arith.constant 0 : i32
    %lt3A_46 = vector.broadcast %lt3A : i32 to vector<1024x128xi32>
    %lt3A_47 = arith.cmpi slt, %rem3A_43, %lt3A_46 : vector<1024x128xi32>
    %lt3A_48 = arith.constant 0 : i32
    %lt3A_49 = arith.cmpi slt, %select_n3A_42, %lt3A_48 : i32
    %ne3A_50 = vector.broadcast %lt3A_49 : i1 to vector<1024x128xi1>
    %ne3A_51 = vector.broadcast %ne3A_50 : vector<1024x128xi1> to vector<1024x128xi1>
    %ne3A_52 = arith.xori %lt3A_47, %ne3A_51 : vector<1024x128xi1>
    %and3A = arith.andi %ne3A_52, %ne3A_45 : vector<1024x128xi1>
    %add3A_53 = vector.broadcast %select_n3A_42 : i32 to vector<1024x128xi32>
    %add3A_54 = arith.addi %rem3A_43, %add3A_53 : vector<1024x128xi32>
    %select_n3A_55 = arith.select %and3A, %add3A_54, %rem3A_43 : vector<1024x128xi1>, vector<1024x128xi32>
    %eq3A_56 = arith.cmpi eq, %iota3A_39, %select_n3A_55 : vector<1024x128xi32>
    %convert_element_type3A_57 = arith.extui %eq3A_56 : vector<1024x128xi1> to vector<1024x128xi32>
    %convert_element_type3A_58 = arith.sitofp %convert_element_type3A_57 : vector<1024x128xi32> to vector<1024x128xf32>
    %mul3A_59 = arith.mulf %reshape3A_38, %convert_element_type3A_58 : vector<1024x128xf32>
    %broadcast_in_dim3A_60 = arith.constant 1.000000e+00 : f32
    %broadcast_in_dim3A_61 = vector.broadcast %broadcast_in_dim3A_60 : f32 to vector<128x1xf32>
    %dot_general3A_62 = arith.constant dense<0.000000e+00> : vector<1024x1xf32>
    %dot_general3A_63 = tpu.matmul %mul3A_59, %broadcast_in_dim3A_61, %dot_general3A_62 {dimension_numbers = #tpu.dot_dimension_numbers<[1], [0], [0], [1], [0, 0, 1, 1], [], []>, transpose_lhs_hint = false} : vector<1024x128xf32>, vector<128x1xf32>, vector<1024x1xf32> -> vector<1024x1xf32>
    %exp3A = math.exp %add3A_30 : vector<1024x1xf32>
    %mul3A_64 = arith.mulf %dot_general3A_63, %exp3A : vector<1024x1xf32>
    %get3A_65 = arith.constant 0 : index
    %get3A_66 = arith.constant 0 : index
    %get3A_67 = vector.load %arg7[%get3A_65, %get3A_66] : memref<256x256xbf16, #tpu.memory_space<vmem>>, vector<256x256xbf16>
    %dot_general3A_68 = arith.constant dense<0.000000e+00> : vector<1024x256xf32>
    %dot_general3A_69 = tpu.matmul %concatenate3A, %get3A_67, %dot_general3A_68 {dimension_numbers = #tpu.dot_dimension_numbers<[1], [0], [0], [1], [0, 0, 1, 1], [], []>, transpose_lhs_hint = false} : vector<1024x256xbf16>, vector<256x256xbf16>, vector<1024x256xf32> -> vector<1024x256xf32>
    %get3A_70 = arith.constant 0 : index
    %get3A_71 = arith.constant 0 : index
    %get3A_72 = vector.load %arg8[%get3A_70, %get3A_71] : memref<1x256xf32, #tpu.memory_space<vmem>>, vector<1x256xf32>
    %add3A_73 = vector.broadcast %get3A_72 : vector<1x256xf32> to vector<1024x256xf32>
    %add3A_74 = arith.addf %dot_general3A_69, %add3A_73 : vector<1024x256xf32>
    %ge3A_75 = arith.constant 0.000000e+00 : f32
    %ge3A_76 = vector.broadcast %ge3A_75 : f32 to vector<1024x256xf32>
    %ge3A_77 = arith.cmpf oge, %add3A_74, %ge3A_76 : vector<1024x256xf32>
    %mul3A_78 = arith.constant 0.00999999977 : f32
    %mul3A_79 = vector.broadcast %mul3A_78 : f32 to vector<1024x256xf32>
    %mul3A_80 = arith.mulf %mul3A_79, %add3A_74 : vector<1024x256xf32>
    %select_n3A_81 = arith.select %ge3A_77, %add3A_74, %mul3A_80 : vector<1024x256xi1>, vector<1024x256xf32>
    %convert_element_type3A_82 = arith.truncf %select_n3A_81 : vector<1024x256xf32> to vector<1024x256xbf16>
    %get3A_83 = arith.constant 0 : index
    %get3A_84 = arith.constant 0 : index
    %get3A_85 = vector.load %arg9[%get3A_83, %get3A_84] : memref<256x128xbf16, #tpu.memory_space<vmem>>, vector<256x128xbf16>
    %dot_general3A_86 = arith.constant dense<0.000000e+00> : vector<1024x128xf32>
    %dot_general3A_87 = tpu.matmul %convert_element_type3A_82, %get3A_85, %dot_general3A_86 {dimension_numbers = #tpu.dot_dimension_numbers<[1], [0], [0], [1], [0, 0, 1, 1], [], []>, transpose_lhs_hint = false} : vector<1024x256xbf16>, vector<256x128xbf16>, vector<1024x128xf32> -> vector<1024x128xf32>
    %get3A_88 = arith.constant 0 : index
    %get3A_89 = arith.constant 0 : index
    %get3A_90 = vector.load %arg10[%get3A_88, %get3A_89] : memref<1x128xf32, #tpu.memory_space<vmem>>, vector<1x128xf32>
    %add3A_91 = vector.broadcast %get3A_90 : vector<1x128xf32> to vector<1024x128xf32>
    %add3A_92 = arith.addf %dot_general3A_87, %add3A_91 : vector<1024x128xf32>
    %mul3A_93 = vector.broadcast %mul3A_64 : vector<1024x1xf32> to vector<1024x128xf32>
    %mul3A_94 = arith.mulf %mul3A_93, %add3A_92 : vector<1024x128xf32>
    %swap3A = arith.constant 0 : index
    %swap3A_95 = arith.constant 0 : index
    %swap3A_96 = vector.load %arg11[%swap3A, %swap3A_95] : memref<1024x128xf32, #tpu.memory_space<vmem>>, vector<1024x128xf32>
    tpu.vector_store %arg11[%swap3A, %swap3A_95], %mul3A_94 {strides = array<i32>} : memref<1024x128xf32, #tpu.memory_space<vmem>>, vector<1024x128xf32>,
    %reshape3A_97 = vector.shape_cast %mul3A_64 : vector<1024x1xf32> to vector<8x128xf32>
    %reshape3A_98 = vector.shape_cast %reshape3A_97 : vector<8x128xf32> to vector<1x8x128xf32>
    %swap3A_99 = arith.constant 0 : index
    %swap3A_100 = arith.constant 0 : index
    %swap3A_101 = arith.constant 0 : index
    %swap3A_102 = vector.load %arg12[%swap3A_99, %swap3A_100, %swap3A_101] : memref<1x8x128xf32, #tpu.memory_space<vmem>>, vector<1x8x128xf32>
    tpu.vector_store %arg12[%swap3A_99, %swap3A_100, %swap3A_101], %reshape3A_98 {strides = array<i32>} : memref<1x8x128xf32, #tpu.memory_space<vmem>>, vector<1x8x128xf32>,
    return
  }
  func.func @transform_0(%arg0: i32) -> (i32, i32, i32, i32) {
    %c0_i32 = arith.constant 0 : i32
    %c0_i32_0 = arith.constant 0 : i32
    %c0_i32_1 = arith.constant 0 : i32
    %c0_i32_2 = arith.constant 0 : i32
    return %arg0, %c0_i32, %c0_i32_0, %c0_i32_1 : i32, i32, i32, i32
  }
  func.func @transform_1(%arg0: i32) -> (i32, i32, i32) {
    %c0_i32 = arith.constant 0 : i32
    %c0_i32_0 = arith.constant 0 : i32
    %c0_i32_1 = arith.constant 0 : i32
    return %arg0, %c0_i32, %c0_i32_0 : i32, i32, i32
  }
  func.func @transform_2(%arg0: i32) -> (i32, i32) {
    %c0_i32 = arith.constant 0 : i32
    %c0_i32_0 = arith.constant 0 : i32
    %c0_i32_1 = arith.constant 0 : i32
    return %c0_i32, %c0_i32_0 : i32, i32
  }
  func.func @transform_3(%arg0: i32) -> (i32, i32) {
    %c0_i32 = arith.constant 0 : i32
    %c0_i32_0 = arith.constant 0 : i32
    %c0_i32_1 = arith.constant 0 : i32
    return %c0_i32, %c0_i32_0 : i32, i32
  }
  func.func @transform_4(%arg0: i32) -> (i32, i32) {
    %c0_i32 = arith.constant 0 : i32
    %c0_i32_0 = arith.constant 0 : i32
    %c0_i32_1 = arith.constant 0 : i32
    return %c0_i32, %c0_i32_0 : i32, i32
  }
  func.func @transform_5(%arg0: i32) -> (i32, i32) {
    %c0_i32 = arith.constant 0 : i32
    %c0_i32_0 = arith.constant 0 : i32
    %c0_i32_1 = arith.constant 0 : i32
    return %c0_i32, %c0_i32_0 : i32, i32
  }
  func.func @transform_6(%arg0: i32) -> (i32, i32) {
    %c0_i32 = arith.constant 0 : i32
    %c0_i32_0 = arith.constant 0 : i32
    %c0_i32_1 = arith.constant 0 : i32
    return %c0_i32, %c0_i32_0 : i32, i32
  }
  func.func @transform_7(%arg0: i32) -> (i32, i32) {
    %c0_i32 = arith.constant 0 : i32
    %c0_i32_0 = arith.constant 0 : i32
    %c0_i32_1 = arith.constant 0 : i32
    return %c0_i32, %c0_i32_0 : i32, i32
  }
  func.func @transform_8(%arg0: i32) -> (i32, i32) {
    %c0_i32 = arith.constant 0 : i32
    %c0_i32_0 = arith.constant 0 : i32
    %c0_i32_1 = arith.constant 0 : i32
    return %c0_i32, %c0_i32_0 : i32, i32
  }
  func.func @transform_9(%arg0: i32) -> (i32, i32) {
    %c0_i32 = arith.constant 0 : i32
    %c0_i32_0 = arith.constant 0 : i32
    %c0_i32_1 = arith.constant 0 : i32
    return %c0_i32, %c0_i32_0 : i32, i32
  }
  func.func @transform_10(%arg0: i32) -> (i32, i32) {
    %c0_i32 = arith.constant 0 : i32
    %c0_i32_0 = arith.constant 0 : i32
    return %arg0, %c0_i32 : i32, i32
  }
  func.func @transform_11(%arg0: i32) -> (i32, i32, i32) {
    %c0_i32 = arith.constant 0 : i32
    %c0_i32_0 = arith.constant 0 : i32
    %c0_i32_1 = arith.constant 0 : i32
    return %arg0, %c0_i32, %c0_i32_0 : i32, i32, i32
  }
}

module attributes {stable_mosaic.version = 14 : i64} {
  func.func @body(%arg0: i32, %arg1: memref<2x1024x128xf32, #tpu.memory_space<vmem>>, %arg2: memref<2x8x128xf32, #tpu.memory_space<vmem>>, %arg3: memref<1024x128xf32, #tpu.memory_space<vmem>>, %arg4: memref<1024x128xf32, #tpu.memory_space<vmem>>) attributes {dimension_semantics = [#tpu.dimension_semantics<arbitrary>], iteration_bounds = array<i64: 10>, scalar_prefetch = 0 : i64, scratch_operands = 0 : i64, tpu.core_type = #tpu.core_type<tc>, window_params = [{transform_indices = @transform_0, window_bounds = array<i64: 2, 1024, 128>}, {transform_indices = @transform_1, window_bounds = array<i64: 2, 8, 128>}, {transform_indices = @transform_2, window_bounds = array<i64: 1024, 128>}, {transform_indices = @transform_3, window_bounds = array<i64: 1024, 128>}]} {
    %get3A = arith.constant 0 : index
    %get3A_0 = arith.constant 0 : index
    %get3A_1 = arith.constant 0 : index
    %get3A_2 = vector.load %arg1[%get3A, %get3A_0, %get3A_1] : memref<2x1024x128xf32, #tpu.memory_space<vmem>>, vector<2x1024x128xf32>
    %slice3A = vector.extract_strided_slice %get3A_2 {offsets = [0, 0, 0], sizes = [1, 1024, 128], strides = [1, 1, 1]} : vector<2x1024x128xf32> to vector<1x1024x128xf32>
    %squeeze3A = vector.shape_cast %slice3A : vector<1x1024x128xf32> to vector<1024x128xf32>
    %slice3A_3 = vector.extract_strided_slice %get3A_2 {offsets = [1, 0, 0], sizes = [1, 1024, 128], strides = [1, 1, 1]} : vector<2x1024x128xf32> to vector<1x1024x128xf32>
    %squeeze3A_4 = vector.shape_cast %slice3A_3 : vector<1x1024x128xf32> to vector<1024x128xf32>
    %add3A = arith.addf %squeeze3A, %squeeze3A_4 : vector<1024x128xf32>
    %get3A_5 = arith.constant 0 : index
    %get3A_6 = arith.constant 0 : index
    %get3A_7 = arith.constant 0 : index
    %get3A_8 = vector.load %arg2[%get3A_5, %get3A_6, %get3A_7] : memref<2x8x128xf32, #tpu.memory_space<vmem>>, vector<2x8x128xf32>
    %slice3A_9 = vector.extract_strided_slice %get3A_8 {offsets = [0, 0, 0], sizes = [1, 8, 128], strides = [1, 1, 1]} : vector<2x8x128xf32> to vector<1x8x128xf32>
    %squeeze3A_10 = vector.shape_cast %slice3A_9 : vector<1x8x128xf32> to vector<8x128xf32>
    %slice3A_11 = vector.extract_strided_slice %get3A_8 {offsets = [1, 0, 0], sizes = [1, 8, 128], strides = [1, 1, 1]} : vector<2x8x128xf32> to vector<1x8x128xf32>
    %squeeze3A_12 = vector.shape_cast %slice3A_11 : vector<1x8x128xf32> to vector<8x128xf32>
    %add3A_13 = arith.addf %squeeze3A_10, %squeeze3A_12 : vector<8x128xf32>
    %reshape3A = vector.shape_cast %add3A_13 : vector<8x128xf32> to vector<8x1x128xf32>
    %broadcast_in_dim3A = vector.shape_cast %reshape3A : vector<8x1x128xf32> to vector<8x1x128xf32>
    %broadcast_in_dim3A_14 = vector.broadcast %broadcast_in_dim3A : vector<8x1x128xf32> to vector<8x128x128xf32>
    %reshape3A_15 = vector.shape_cast %broadcast_in_dim3A_14 : vector<8x128x128xf32> to vector<1024x128xf32>
    %iota3A = tpu.iota {dimensions = array<i32: 0>} : vector<1024x128xi32>
    %iota3A_16 = tpu.iota {dimensions = array<i32: 1>} : vector<1024x128xi32>
    %jit3A = arith.constant 128 : i32
    %eq3A = arith.constant 0 : i32
    %eq3A_17 = arith.cmpi eq, %jit3A, %eq3A : i32
    %jit3A_18 = arith.constant 1 : i32
    %select_n3A = arith.select %eq3A_17, %jit3A_18, %jit3A : i32
    %rem3A = vector.broadcast %select_n3A : i32 to vector<1024x128xi32>
    %rem3A_19 = arith.remsi %iota3A, %rem3A : vector<1024x128xi32>
    %ne3A = arith.constant 0 : i32
    %ne3A_20 = vector.broadcast %ne3A : i32 to vector<1024x128xi32>
    %ne3A_21 = arith.cmpi ne, %rem3A_19, %ne3A_20 : vector<1024x128xi32>
    %lt3A = arith.constant 0 : i32
    %lt3A_22 = vector.broadcast %lt3A : i32 to vector<1024x128xi32>
    %lt3A_23 = arith.cmpi slt, %rem3A_19, %lt3A_22 : vector<1024x128xi32>
    %lt3A_24 = arith.constant 0 : i32
    %lt3A_25 = arith.cmpi slt, %select_n3A, %lt3A_24 : i32
    %ne3A_26 = vector.broadcast %lt3A_25 : i1 to vector<1024x128xi1>
    %ne3A_27 = vector.broadcast %ne3A_26 : vector<1024x128xi1> to vector<1024x128xi1>
    %ne3A_28 = arith.xori %lt3A_23, %ne3A_27 : vector<1024x128xi1>
    %and3A = arith.andi %ne3A_28, %ne3A_21 : vector<1024x128xi1>
    %add3A_29 = vector.broadcast %select_n3A : i32 to vector<1024x128xi32>
    %add3A_30 = arith.addi %rem3A_19, %add3A_29 : vector<1024x128xi32>
    %select_n3A_31 = arith.select %and3A, %add3A_30, %rem3A_19 : vector<1024x128xi1>, vector<1024x128xi32>
    %eq3A_32 = arith.cmpi eq, %iota3A_16, %select_n3A_31 : vector<1024x128xi32>
    %convert_element_type3A = arith.extui %eq3A_32 : vector<1024x128xi1> to vector<1024x128xi32>
    %convert_element_type3A_33 = arith.sitofp %convert_element_type3A : vector<1024x128xi32> to vector<1024x128xf32>
    %mul3A = arith.mulf %reshape3A_15, %convert_element_type3A_33 : vector<1024x128xf32>
    %broadcast_in_dim3A_34 = arith.constant 1.000000e+00 : f32
    %broadcast_in_dim3A_35 = vector.broadcast %broadcast_in_dim3A_34 : f32 to vector<128x1xf32>
    %dot_general3A = arith.constant dense<0.000000e+00> : vector<1024x1xf32>
    %dot_general3A_36 = tpu.matmul %mul3A, %broadcast_in_dim3A_35, %dot_general3A {dimension_numbers = #tpu.dot_dimension_numbers<[1], [0], [0], [1], [0, 0, 1, 1], [], []>, transpose_lhs_hint = false} : vector<1024x128xf32>, vector<128x1xf32>, vector<1024x1xf32> -> vector<1024x1xf32>
    %add3A_37 = arith.constant 1.000000e-10 : f32
    %add3A_38 = vector.broadcast %add3A_37 : f32 to vector<1024x1xf32>
    %add3A_39 = arith.addf %dot_general3A_36, %add3A_38 : vector<1024x1xf32>
    %div3A = vector.broadcast %add3A_39 : vector<1024x1xf32> to vector<1024x128xf32>
    %div3A_40 = arith.divf %add3A, %div3A : vector<1024x128xf32>
    %get3A_41 = arith.constant 0 : index
    %get3A_42 = arith.constant 0 : index
    %get3A_43 = vector.load %arg3[%get3A_41, %get3A_42] : memref<1024x128xf32, #tpu.memory_space<vmem>>, vector<1024x128xf32>
    %add3A_44 = arith.addf %div3A_40, %get3A_43 : vector<1024x128xf32>
    %swap3A = arith.constant 0 : index
    %swap3A_45 = arith.constant 0 : index
    %swap3A_46 = vector.load %arg4[%swap3A, %swap3A_45] : memref<1024x128xf32, #tpu.memory_space<vmem>>, vector<1024x128xf32>
    tpu.vector_store %arg4[%swap3A, %swap3A_45], %add3A_44 {strides = array<i32>} : memref<1024x128xf32, #tpu.memory_space<vmem>>, vector<1024x128xf32>,
    return
  }
  func.func @transform_0(%arg0: i32) -> (i32, i32, i32) {
    %c0_i32 = arith.constant 0 : i32
    %c0_i32_0 = arith.constant 0 : i32
    %c0_i32_1 = arith.constant 0 : i32
    return %c0_i32, %arg0, %c0_i32_0 : i32, i32, i32
  }
  func.func @transform_1(%arg0: i32) -> (i32, i32, i32) {
    %c0_i32 = arith.constant 0 : i32
    %c0_i32_0 = arith.constant 0 : i32
    %c0_i32_1 = arith.constant 0 : i32
    return %c0_i32, %arg0, %c0_i32_0 : i32, i32, i32
  }
  func.func @transform_2(%arg0: i32) -> (i32, i32) {
    %c0_i32 = arith.constant 0 : i32
    %c0_i32_0 = arith.constant 0 : i32
    return %arg0, %c0_i32 : i32, i32
  }
  func.func @transform_3(%arg0: i32) -> (i32, i32) {
    %c0_i32 = arith.constant 0 : i32
    %c0_i32_0 = arith.constant 0 : i32
    return %arg0, %c0_i32 : i32, i32
  }
}

</mosaic_0001>

<sc_bundles>
// kernel: kernel.6.cloned.1.call-start
scs
__scs_entry_jumppad:
0x0: {  	(pc) =	sbr.rel $0x88, $3  }
0x1: {  	(tag) =	ssettag $0x0;
	lr =	simm.s32 $0x1  }
0x2: {  	[smem:$0x3F95] =	sst lr;
	_ =	strace $0xD0000000  }
0x3: {  	_ = 	snop  }
0x4: {  	_ = 	snop  }
0x5: {  	_ = 	snop  }
0x6: {  	_ = 	snop  }
0x7: {  	_ = 	snop  }
__scs_overlays_trampoline_lowered:
0x8: {  	[smem:$0x3FA4] =	sst s0  }
0x9: {  	[smem:$0x3FA5] =	sst s1  }
0xa: {  	[smem:$0x3FA6] =	sst s2  }
0xb: {  	[smem:$0x3FA7] =	sst s3  }
0xc: {  	[smem:$0x3FA8] =	sst s4  }
0xd: {  	[smem:$0x3FA9] =	sst s5  }
0xe: {  	[smem:$0x3FAA] =	sst s6  }
0xf: {  	[smem:$0x3FAB] =	sst s7  }
0x10: {  	[smem:$0x3FAC] =	sst s8  }
0x11: {  	[smem:$0x3FAD] =	sst s9;
	s0 =	simm.s32 @!p0 $0x0  }
0x12: {  	s1 =	sld [smem:$0x3F93];
	s0 =	simm.s32 @p0 $0x1  }
0x13: {  	[smem:$0x3FAE] =	sst s0;
	s0 =	simm.s32 @!p1 $0x0  }
0x14: {  	s2 =	sld [smem:$0x3F92];
	s0 =	simm.s32 @p1 $0x1  }
0x15: {  	[smem:$0x3FAF] =	sst s0;
	s0 =	simm.s32 @!p2 $0x0  }
0x16: {  	s3 =	sld [smem:$0x3FDB];
	s0 =	simm.s32 @p2 $0x1  }
0x17: {  	s4 =	simm.s32 $0x1BF5;
	[smem:$0x3FB1] =	sst s0  }
0x18: {  	s0 =	sld [smem:$0x3F94];
	_ =	swait.ge [sflag:s4], $0x0  }
0x19: {  	s7 =	sld [smem:$0x3F95]  }
0x1a: {  	s8 =	sadd.s32 $0xFFFFE003, lr  }
0x1b: {  	s9 =	sadd.s32 $0xFFFFFEF7, lr;
	s5 =	simm.s32 $0xFFFFFFFF;
	p2 =	slt.u32 s8, $0xFFFFF086  }
0x1c: {  	p1 =	slt.u32 s9, $0xF7A;
	s5 =	simm.s32 @!p2 $0x0  }
0x1d: {  	s5 =	simm.s32 @p1 $0x1;
	p0 =	seq.s32 s7, s2  }
0x1e: {  	s7 =	smul.u32 @!p0 $0xF7A, s2;
	p2 =	seq.s32 @!p0 s5, $0x0  }
0x1f: {  	s9 =	smul.u32 $0xF7A, s1;
	s8 =	simm.s32 @!p0 $0x1BF5;
	p2 =	por !p2, p0  }
0x20: {  	[sflag:s8] =	ssyncset.s32 @!p0 $0xFFFFF086;
	s6 =	sadd.s32 @!p0 s3, s7;
	s7 =	simm.s32 @!p0 $0x108  }
0x21: {  	s3 =	sadd.s32 s3, s9;
	s6 =	sadd.s32 @!p0 $0x88, s6;
	s7 =	simm.s32 @p2 $0x1082  }
0x22: {  	[simem:s7], [sflag:s8] =	dma.local @!p0 [hbm:s6], $0xF7A  }
0x23: {  	s9 =	sor.u32 $0xD0000000, s2;
	s6 =	simm.s32 $0x108;
	_ =	swait.ge @!p0 [sflag:s8], $0x0  }
0x24: {  	s3 =	sadd.s32 $0x88, s3;
	s6 =	simm.s32 @!p1 $0x1082;
	[sflag:s4] =	ssyncset.s32 $0xFFFFF086  }
0x25: {  	[simem:s6], [sflag:s4] =	dma.local [hbm:s3], $0xF7A  }
0x26: {  	[smem:$0x3F95] =	sst s1;
	(tag) =	ssettag s2;
	_ =	strace s9  }
0x27: {  	s1 =	sld [smem:$0x3FA5]  }
0x28: {  	s2 =	sld [smem:$0x3FA6]  }
0x29: {  	s4 =	sld [smem:$0x3FA8]  }
0x2a: {  	p0 =	seq.s32 s5, $0x0;
	s5 =	sld [smem:$0x3FA9]  }
0x2b: {  	s6 =	sld [smem:$0x3FAA]  }
0x2c: {  	s7 =	sld [smem:$0x3FAB]  }
0x2d: {  	s3 =	simm.s32 $0x108;
	s8 =	sld [smem:$0x3FAC]  }
0x2e: {  	s3 =	simm.s32 @!p0 $0x1082;
	s9 =	sld [smem:$0x3FAD]  }
0x2f: {  	lr =	sadd.s32 s0, s3;
	s0 =	sld [smem:$0x3FA4]  }
0x30: {  	s3 =	sld [smem:$0x3FA7]  }
0x31: {  	[smem:$0x3FB0] =	sst s10  }
0x32: {  	s10 =	sld [smem:$0x3FAE];
	_ =	sdelay $0x3  }
0x33: {  	p0 =	seq.s32 s10, $0x1;
	s10 =	sld [smem:$0x3FB0];
	_ =	sdelay $0x3  }
0x34: {  	[smem:$0x3FB0] =	sst s10  }
0x35: {  	s10 =	sld [smem:$0x3FAF];
	_ =	sdelay $0x3  }
0x36: {  	p1 =	seq.s32 s10, $0x1;
	s10 =	sld [smem:$0x3FB0];
	_ =	sdelay $0x3  }
0x37: {  	[smem:$0x3FB0] =	sst s10  }
0x38: {  	s10 =	sld [smem:$0x3FB1]  }
0x39: {  	_ = 	snop;
	(pc) =	sbr.ind lr, $3  }
0x3a: {  	_ = 	snop  }
0x3b: {  	_ = 	snop  }
0x3c: {  	p2 =	seq.s32 s10, $0x1;
	s10 =	sld [smem:$0x3FB0]  }
0x3d: {  	_ =	shalt  }
0x3e: {  	_ =	shalt  }
0x3f: {  	_ =	shalt  }
0x40: {  	_ =	shalt  }
0x41: {  	_ =	shalt  }
0x42: {  	_ =	shalt  }
0x43: {  	_ =	shalt  }
0x44: {  	_ =	shalt  }
0x45: {  	_ =	shalt  }
0x46: {  	_ =	shalt  }
0x47: {  	_ =	shalt  }
0x48: {  	_ =	shalt  }
0x49: {  	_ =	shalt  }
0x4a: {  	_ =	shalt  }
0x4b: {  	_ =	shalt  }
0x4c: {  	_ =	shalt  }
0x4d: {  	_ =	shalt  }
0x4e: {  	_ =	shalt  }
0x4f: {  	_ =	shalt  }
0x50: {  	_ =	shalt  }
0x51: {  	_ =	shalt  }
0x52: {  	_ =	shalt  }
0x53: {  	_ =	shalt  }
0x54: {  	_ =	shalt  }
0x55: {  	_ =	shalt  }
0x56: {  	_ =	shalt  }
0x57: {  	_ =	shalt  }
0x58: {  	_ =	shalt  }
0x59: {  	_ =	shalt  }
0x5a: {  	_ =	shalt  }
0x5b: {  	_ =	shalt  }
0x5c: {  	_ =	shalt  }
0x5d: {  	_ =	shalt  }
0x5e: {  	_ =	shalt  }
0x5f: {  	_ =	shalt  }
0x60: {  	_ =	shalt  }
0x61: {  	_ =	shalt  }
0x62: {  	_ =	shalt  }
0x63: {  	_ =	shalt  }
0x64: {  	_ =	shalt  }
0x65: {  	_ =	shalt  }
0x66: {  	_ =	shalt  }
0x67: {  	_ =	shalt  }
0x68: {  	_ =	shalt  }
0x69: {  	_ =	shalt  }
0x6a: {  	_ =	shalt  }
0x6b: {  	_ =	shalt  }
0x6c: {  	_ =	shalt  }
0x6d: {  	_ =	shalt  }
0x6e: {  	_ =	shalt  }
0x6f: {  	_ =	shalt  }
0x70: {  	_ =	shalt  }
0x71: {  	_ =	shalt  }
0x72: {  	_ =	shalt  }
0x73: {  	_ =	shalt  }
0x74: {  	_ =	shalt  }
0x75: {  	_ =	shalt  }
0x76: {  	_ =	shalt  }
0x77: {  	_ =	shalt  }
0x78: {  	_ =	shalt  }
0x79: {  	_ =	shalt  }
0x7a: {  	_ =	shalt  }
0x7b: {  	_ =	shalt  }
0x7c: {  	_ =	shalt  }
0x7d: {  	_ =	shalt  }
0x7e: {  	_ =	shalt  }
0x7f: {  	_ =	shalt  }
0x80: {  	_ =	shalt  }
0x81: {  	_ =	shalt  }
0x82: {  	_ =	shalt  }
0x83: {  	_ =	shalt  }
0x84: {  	_ =	shalt  }
0x85: {  	_ =	shalt  }
0x86: {  	_ =	shalt  }
0x87: {  	_ =	shalt  }
.Lfunc_end0:
.L_simem_size_0:
called_computation_lowered:
.L_overlay_start_0:
0x88: {  	s2 =	sld [smem:$0x3FD9]  }
0x89: {  	s3 =	sld [smem:$0x3FFE];
	_ =	sdelay $0x1  }
0x8a: {  	s1 =	srdreg.scid  }
0x8b: {  	s0 =	sand.u32 $0x1, s1  }
0x8c: {  	s17 =	sshll.u32 s0, $0xA;
	s2 =	sadd.s32 s3, s2  }
0x8d: {  	s2 =	sadd.s32 s2, s17  }
0x8e: {  	[smem:$0x3FBC] =	sst s2  }
0x8f: {  	_ = 	snop  }
0x90: {  	s2 =	sld [smem:$0x3FD0];
	(tm) =	ssettm $0x1  }
0x91: {  	s18 =	sld [smem:$0x3FFB];
	_ =	sdelay $0x3  }
0x92: {  	_ =	strace s18  }
0x93: {  	s3 =	sld [smem:$0x3FFC];
	_ =	sdelay $0x3  }
0x94: {  	_ =	strace s3  }
0x95: {  	s3 =	sld [smem:$0x3FFD];
	_ =	sdelay $0x3  }
0x96: {  	_ =	strace s3  }
0x97: {  	_ =	strace $0x8FFFFFFF  }
0x98: {  	s19 =	sld [smem:$0x3FDB];
	_ =	sdelay $0x1  }
0x99: {  	s4 =	simm.s32 $_scs_section_size  }
0x9a: {  	s5 =	simm.s32 $_size__tile_overlayer_lowered;
	s6 =	simm.s32 $_tile_overlayer_lowered  }
0x9b: {  	s22 =	simm.s32 $0x1BFF;
	s21 =	sshll.u32 s6, $0x1;
	s3 =	sadd.s32 s4, s19  }
0x9c: {  	s7 =	simm.s32 $0x0;
	s20 =	sshll.u32 s5, $0x1;
	s5 =	sadd.s32 s21, s3  }
0x9d: {  	[timem:s7], [sflag:s22] =	dma.local [hbm:s5], s20  }
0x9e: {  	_ =	swait.ge [sflag:s22], s20  }
0x9f: {  	s4 =	ssub.s32 $0x0, s20;
	[sflag:s22] =	ssyncset.done $0x0  }
0xa0: {  	[sflag:s22] =	ssyncadd.s32 s4;
	_ =	sdelay $0x1  }
0xa1: {  	s23 =	simm.s32 $0x1B8B  }
0xa2: {  	_ =	swait.ge [sflag:s23], $0x1  }
0xa3: {  	[sflag:s23] =	ssyncset.done $0x0  }
0xa4: {  	s25 =	simm.s32 $0x1B8E;
	s24 =	sld [smem:$0x3FFE];
	[sflag:s23] =	ssyncadd.s32 $0xFFFFFFFF  }
0xa5: {  	s26 =	simm.s32 $execute0_lowered;
	[smem:$0x3FD2] =	sst s25  }
0xa6: {  	s5 =	sshll.u32 s26, $0x1;
	_ =	strace $0x80000046;
	[dreg:$0x1] =	wrdreg $0xFFFFFFFF  }
0xa7: {  	s28 =	simm.s32 $_size_execute0_lowered;
	s3 =	sadd.s32 s3, s5;
	[dreg:$0x0] =	wrdreg $0x0  }
0xa8: {  	s5 =	sshll.u32 s28, $0x1;
	[dreg:$0x2] =	wrdreg s3  }
0xa9: {  	[dreg:$0x3] =	wrdreg s5  }
0xaa: {  	[dreg:$0x4] =	wrdreg $0xC0  }
0xab: {  	_ =	task [dreg:s7], $0x5FFFF  }
0xac: {  	[dreg:$0x1] =	wrdreg $0xFFFFFFFF  }
0xad: {  	[dreg:$0x0] =	wrdreg $0x60  }
0xae: {  	[dreg:$0x2] =	wrdreg s24  }
0xaf: {  	[dreg:$0x3] =	wrdreg s2  }
0xb0: {  	[dreg:$0x4] =	wrdreg $0x9  }
0xb1: {  	_ =	task.clear_ibuf [dreg:s7], $0x5FFFF;
	_ =	strace $0x90000046  }
0xb2: {  	s29 =	simm.s32 $0x9;
	_ =	strace $0x80000048  }
0xb3: {  	_ =	swait.ge [sflag:s29], $0x1  }
0xb4: {  	[sflag:s29] =	ssyncadd.s32 $0xFFFFFFFF  }
0xb5: {  	_ =	strace $0x90000048  }
0xb6: {  	_ =	sfence  }
0xb7: {  	s30 =	sld [smem:$0x0];
	_ =	sdelay $0x2  }
0xb8: {  	s31 =	sshll.u32 s1, $0xD;
	s1 =	sshrl.u32 s1, $0x2  }
0xb9: {  	s3 =	sand.u32 $0x4000, s31;
	s1 =	sadd.s32 s1, s30  }
0xba: {  	s0 =	sor.u32 s3, s0;
	s1 =	sshll.u32 s1, $0x11  }
0xbb: {  	s0 =	sor.u32 s1, s0  }
0xbc: {  	s0 =	sadd.s32 $0x8F2B, s0  }
0xbd: {  	[sflag:s0] =	ssyncadd.remote.s32 $0x1  }
0xbe: {  	_ =	sfence.sel $0xFFFF  }
0xbf: {  	[dreg:$0x0] =	wrdreg $0xFFFFFFFF;
	(pc) =	sbr.abs _section_cstart, $3  }
0xc0: {  	[dreg:$0x1] =	wrdreg $0xFFFFFFFF  }
0xc1: {  	_ =	task.clear_ibuf [dreg:s7], $0x2FFFF;
	_ =	strace $0x9FFFFFFF  }
0xc2: {  	(tm) =	ssettm $0x7FFFFFFF  }
0xc3: {  	_ =	shalt  }
tec
execute0_lowered:
.L_overlay_start_1:
0x0: {  	(tag) =	ssettag $0x1  }
0x1: {  	s5 =	rddreg [dreg:$0x0]  }
0x2: {  	s6 =	rddreg [dreg:$0x1]  }
0x3: {  	s2 =	simm.s32 $0x0;
	s3 =	srdreg.scid;
	s0 =	stileid.u32  }
0x4: {  	s15 =	simm.s32 $0xB680;
	s16 =	simm.s32 $0x4F00;
	s17 =	simm.s32 $0xF680  }
0x5: {  	s18 =	simm.s32 $0x2800;
	s19 =	simm.s32 $0x13680;
	s20 =	simm.s32 $0x4F80  }
0x6: {  	s21 =	simm.s32 $0x4;
	s22 =	simm.s32 $0x1;
	s23 =	simm.s32 $0x3  }
0x7: {  	s24 =	simm.s32 $0x2;
	s25 =	simm.s32 $0x0;
	[smem:$0x7FF] =	sst s2  }
0x8: {  	s7 =	sand.u32 $0x1, s3;
	s4 =	sshll.u32 s0, $0x1;
	s3 =	sadd.s32 $0xC800, s5  }
0x9: {  	s11 =	sadd.s32 $0x3DE00, s5;
	s13 =	smul.u32 $0x9E000, s0;
	_ =	strace $0x80000047  }
0xa: {  	s8 =	sor.u32 s7, s4;
	s10 =	ssub.s32 $0x2, s7;
	s29 =	smul.u32 $0x4F000, s7  }
0xb: {  	s4 =	sadd.s32 $0x33A00, s5;
	s9 =	smul.u32 $0x4F0, s8;
	s12 =	sshrl.u32 s10, $0x1  }
0xc: {  	s30 =	smul.u32 $0x4F000, s8;
	s31 =	sadd.s32 s13, s11;
	s13 =	simm.s32 $0x80  }
0xd: {  	s10 =	ssub.s32 s10, s12;
	s12 =	sadd.s32 s29, s31;
	s14 =	sadd.s32 s9, s5  }
0xe: {  	s5 =	sadd.s32 s6, s9;
	s8 =	smax.u32 s10, $0x1;
	s9 =	sadd.s32 s11, s30  }
0xf: {  	s10 =	sadd.s32 $0x1000, s12;
	s11 =	simm.s32 $0x5;
	s12 =	simm.s32 $0x2780  }
0x10: {  	s6 =	sadd.s32 $0x2A00, s14;
	s7 =	sadd.s32 $0x34000, s14;
	s14 =	simm.s32 $0x7680  }
.LBB2_1:
0x11: {  	[tilespmem:s2], [sflag:$0x5] =	stream.linear.gather [hbm4b:s5+s2], $0x2780, $0x38;
	[tilespmem:$0x17680] =	vst v63  }
0x12: {  	_ =	swait.ge [sflag:s11], $0x2780  }
0x13: {  	[sflag:s11] =	ssyncset.done $0x0  }
0x14: {  	[sflag:s11] =	ssyncadd.s32 $0xFFFFD880  }
0x15: {  	[tilespmem:s12], [sflag:$0x5] =	stream.linear.gather [hbm4b:s6+s2], $0x2780, $0x38;
	[tilespmem:$0x17680] =	vst v63  }
0x16: {  	_ =	swait.ge [sflag:s11], $0x2780  }
0x17: {  	[sflag:s11] =	ssyncset.done $0x0  }
0x18: {  	[sflag:s11] =	ssyncadd.s32 $0xFFFFD880  }
0x19: {  	[tilespmem:s14], [sflag:$0x1] =	stream.indirect.gather [hbm4b:s3+s13], $0x80, s2, s13, $0xb8;
	[tilespmem:$0x17680] =	vst v63  }
0x1a: {  	_ = 	snop  }
0x1b: {  	[tilespmem:s15], [sflag:$0x1] =	stream.indirect.gather [hbm4b:s3+s13], $0x80, s12, s13, $0xb8;
	[tilespmem:$0x17680] =	vst v63  }
0x1c: {  	_ = 	snop  }
0x1d: {  	[tilespmem:s16], [sflag:$0x1] =	stream.indirect.gather [hbm4b:s4+s13], $0x1, s12, s13, $0xb8;
	[tilespmem:$0x17680] =	vst v63  }
0x1e: {  	_ = 	snop  }
0x1f: {  	[tilespmem:s17], [sflag:$0x2] =	stream.indirect.gather [hbm4b:s3+s13], $0x80, s13, s13, $0xb8;
	[tilespmem:$0x17680] =	vst v63  }
0x20: {  	_ = 	snop  }
0x21: {  	[tilespmem:s19], [sflag:$0x2] =	stream.indirect.gather [hbm4b:s3+s13], $0x80, s18, s13, $0xb8;
	[tilespmem:$0x17680] =	vst v63  }
0x22: {  	_ = 	snop  }
0x23: {  	[tilespmem:s20], [sflag:$0x2] =	stream.indirect.gather [hbm4b:s4+s13], $0x1, s18, s13, $0xb8;
	[tilespmem:$0x17680] =	vst v63  }
0x24: {  	_ =	swait.ge [sflag:s22], $0x4000  }
0x25: {  	[sflag:s22] =	ssyncset.done $0x0  }
0x26: {  	[sflag:s22] =	ssyncadd.s32 $0xFFFFC000  }
0x27: {  	_ =	swait.ge [sflag:s22], $0x4000  }
0x28: {  	[sflag:s22] =	ssyncset.done $0x0  }
0x29: {  	[sflag:s22] =	ssyncadd.s32 $0xFFFFC000  }
0x2a: {  	s28 =	simm.s32 $0x5000;
	_ =	swait.ge [sflag:s22], $0x80  }
0x2b: {  	s29 =	simm.s32 $0x2880;
	s30 =	simm.s32 $0x100;
	[sflag:s22] =	ssyncset.done $0x0  }
0x2c: {  	s26 =	smov.u32 s10;
	s31 =	simm.s32 $0x1;
	[sflag:s22] =	ssyncadd.s32 $0xFFFFFF80  }
0x2d: {  	[hbm4b:s9+s2] =	stream.linear.scatter [tilespmem:s14], [sflag:$0x3], $0x8000, $0x38;
	[tilespmem:$0x17680] =	vst v63  }
.LBB2_2:
0x2e: {  	s0 =	sand.u32 $0x1, s31  }
0x2f: {  	p0 =	seq.s32 s0, $0x1  }
0x30: {  	s0 =	simm.s32 @!p0 $0x4  }
0x31: {  	_ =	swait.ge @!p0 [sflag:s0], $0x8000  }
0x32: {  	[sflag:s0] =	ssyncset.done @!p0 $0x0  }
0x33: {  	s1 =	simm.s32 @!p0 $0xF680;
	[sflag:s0] =	ssyncadd.s32 @!p0 $0xFFFF8000;
	s0 =	simm.s32 @!p0 $0x80  }
0x34: {  	[tilespmem:s1], [sflag:$0x2] =	stream.indirect.gather @!p0 [hbm4b:s3+s0], $0x80, s30, s0, $0xb8;
	[tilespmem:$0x17680] =	vst v63  }
0x35: {  	s1 =	simm.s32 @!p0 $0x13680  }
0x36: {  	[tilespmem:s1], [sflag:$0x2] =	stream.indirect.gather @!p0 [hbm4b:s3+s0], $0x80, s29, s0, $0xb8;
	[tilespmem:$0x17680] =	vst v63  }
0x37: {  	_ = 	snop  }
0x38: {  	[tilespmem:s28], [sflag:$0x2] =	stream.indirect.gather @!p0 [hbm4b:s4+s0], $0x1, s29, s0, $0xb8;
	[tilespmem:$0x17680] =	vst v63  }
0x39: {  	s0 =	simm.s32 @!p0 $0x1  }
0x3a: {  	_ =	swait.ge @!p0 [sflag:s0], $0x4000  }
0x3b: {  	[sflag:s0] =	ssyncset.done @!p0 $0x0  }
0x3c: {  	[sflag:s0] =	ssyncadd.s32 @!p0 $0xFFFFC000  }
0x3d: {  	_ =	swait.ge @!p0 [sflag:s0], $0x4000  }
0x3e: {  	[sflag:s0] =	ssyncset.done @!p0 $0x0  }
0x3f: {  	[sflag:s0] =	ssyncadd.s32 @!p0 $0xFFFFC000  }
0x40: {  	_ =	swait.ge @!p0 [sflag:s0], $0x80  }
0x41: {  	[sflag:s0] =	ssyncset.done @!p0 $0x0  }
0x42: {  	s1 =	simm.s32 @!p0 $0x7680;
	[sflag:s0] =	ssyncadd.s32 @!p0 $0xFFFFFF80;
	s0 =	simm.s32 @!p0 $0x0  }
0x43: {  	[hbm4b:s26+s0] =	stream.linear.scatter @!p0 [tilespmem:s1], [sflag:$0x3], $0x8000, $0x38;
	[tilespmem:$0x17680] =	vst v63  }
0x44: {  	s0 =	sand.u32 @!p0 $0x1, s31  }
0x45: {  	p1 =	seq.s32 @!p0 s0, $0x0  }
0x46: {  	p0 =	por p0, !p1  }
0x47: {  	_ =	swait.ge @p0 [sflag:s23], $0x8000  }
0x48: {  	[sflag:s23] =	ssyncset.done @p0 $0x0  }
0x49: {  	[sflag:s23] =	ssyncadd.s32 @p0 $0xFFFF8000  }
0x4a: {  	[tilespmem:s14], [sflag:$0x1] =	stream.indirect.gather @p0 [hbm4b:s3+s13], $0x80, s30, s13, $0xb8;
	[tilespmem:$0x17680] =	vst v63  }
0x4b: {  	_ = 	snop  }
0x4c: {  	[tilespmem:s15], [sflag:$0x1] =	stream.indirect.gather @p0 [hbm4b:s3+s13], $0x80, s29, s13, $0xb8;
	[tilespmem:$0x17680] =	vst v63  }
0x4d: {  	_ = 	snop  }
0x4e: {  	[tilespmem:s28], [sflag:$0x1] =	stream.indirect.gather @p0 [hbm4b:s4+s13], $0x1, s29, s13, $0xb8;
	[tilespmem:$0x17680] =	vst v63  }
0x4f: {  	_ =	swait.ge @p0 [sflag:s24], $0x4000  }
0x50: {  	[sflag:s24] =	ssyncset.done @p0 $0x0  }
0x51: {  	[sflag:s24] =	ssyncadd.s32 @p0 $0xFFFFC000  }
0x52: {  	_ =	swait.ge @p0 [sflag:s24], $0x4000  }
0x53: {  	[sflag:s24] =	ssyncset.done @p0 $0x0  }
0x54: {  	[sflag:s24] =	ssyncadd.s32 @p0 $0xFFFFC000  }
0x55: {  	_ =	swait.ge @p0 [sflag:s24], $0x80  }
0x56: {  	[sflag:s24] =	ssyncset.done @p0 $0x0  }
0x57: {  	s31 =	sadd.s32 $0x1, s31;
	[sflag:s24] =	ssyncadd.s32 @p0 $0xFFFFFF80  }
0x58: {  	[hbm4b:s26+s2] =	stream.linear.scatter @p0 [tilespmem:s17], [sflag:$0x4], $0x8000, $0x38;
	[tilespmem:$0x17680] =	vst v63  }
0x59: {  	p0 =	sne.s32 s31, $0x4E  }
.Ltmp0:
0x5a: {  	_ = 	snop;
	(pc) =	sbr.rel @p0 .LBB2_2-.Ltmp0, $3  }
0x5b: {  	_ =	sdelay $0x1  }
0x5c: {  	s30 =	sadd.s32 $0x80, s30  }
0x5d: {  	s28 =	sadd.s32 $0x80, s28;
	s29 =	sadd.s32 $0x80, s29;
	s26 =	sadd.s32 $0x1000, s26  }
0x5e: {  	_ =	swait.ge [sflag:s21], $0x8000  }
0x5f: {  	[sflag:s21] =	ssyncset.done $0x0  }
0x60: {  	[sflag:s21] =	ssyncadd.s32 $0xFFFF8000  }
0x61: {  	_ =	swait.ge [sflag:s22], $0x4000  }
0x62: {  	[sflag:s22] =	ssyncset.done $0x0  }
0x63: {  	[sflag:s22] =	ssyncadd.s32 $0xFFFFC000  }
0x64: {  	_ =	swait.ge [sflag:s22], $0x4000  }
0x65: {  	[sflag:s22] =	ssyncset.done $0x0  }
0x66: {  	[sflag:s22] =	ssyncadd.s32 $0xFFFFC000  }
0x67: {  	_ =	swait.ge [sflag:s22], $0x80  }
0x68: {  	[sflag:s22] =	ssyncset.done $0x0  }
0x69: {  	[sflag:s22] =	ssyncadd.s32 $0xFFFFFF80  }
0x6a: {  	[hbm4b:s26+s2] =	stream.linear.scatter [tilespmem:s14], [sflag:$0x3], $0x8000, $0x38;
	[tilespmem:$0x17680] =	vst v63  }
0x6b: {  	s25 =	sadd.s32 $0x1, s25;
	_ =	swait.ge [sflag:s23], $0x8000  }
0x6c: {  	p0 =	sne.s32 s25, s8;
	[sflag:s23] =	ssyncset.done $0x0  }
.Ltmp1:
0x6d: {  	[sflag:s23] =	ssyncadd.s32 $0xFFFF8000;
	(pc) =	sbr.rel @p0 .LBB2_1-.Ltmp1, $4  }
0x6e: {  	[hbm4b:s7+s2] =	stream.linear.scatter [tilespmem:s16], [sflag:$0x5], $0x2780, $0x38;
	[tilespmem:$0x17680] =	vst v63  }
0x6f: {  	_ =	swait.ge [sflag:s11], $0x2780  }
0x70: {  	[sflag:s11] =	ssyncset.done $0x0  }
0x71: {  	[sflag:s11] =	ssyncadd.s32 $0xFFFFD880  }
0x72: {  	_ =	sfence.sel $0x180000  }
0x73: {  	[bflag:$0x0] =	sbarrier.arrive $0xFFFF  }
0x74: {  	_ =	strace $0x90000047  }
0x75: {  	s0 =	stileid.u32;
	[bflag:$0x2] =	sbarrier.arrive $0xFFFF  }
0x76: {  	p0 =	sne.s32 s0, $0x0;
	s0 =	rddreg [dreg:$0x2]  }
0x77: {  	s0 =	sadd.s32 @!p0 $0x100000, s0  }
0x78: {  	[sflag:s0] =	ssyncadd.tile.s32 @!p0 $0x1;
	_ =	shalt  }
.Lfunc_end2:
_tile_overlayer_lowered:
.L_overlay_start_2:
0x79: {  	(tag) =	ssettag $0x2  }
0x7a: {  	s0 =	rddreg [dreg:$0x0];
	s2 =	stileid.u32  }
0x7b: {  	s1 =	rddreg [dreg:$0x1];
	p0 =	sne.s32 s2, $0x0  }
0x7c: {  	s3 =	rddreg [dreg:$0x2];
	[bflag:$0x3] =	sbarrier.arrive $0xFFFF;
	s2 =	simm.s32 @!p0 $0x1C05  }
0x7d: {  	[timem:s3], [sflag:s2] =	dma.local @!p0 [hbm:s0], s1  }
0x7e: {  	s0 =	simm.s32 @!p0 $0x5  }
0x7f: {  	_ =	swait.ge @!p0 [sflag:s0], s1  }
0x80: {  	s1 =	ssub.s32 @!p0 $0x0, s1;
	[sflag:s0] =	ssyncset.done @!p0 $0x0  }
0x81: {  	[sflag:s0] =	ssyncadd.s32 @!p0 s1  }
0x82: {  	[bflag:$0x3] =	sbarrier.arrive $0xFFFF  }
0x83: {  	_ =	shalt  }

// kernel: kernel.9.cloned.1.call-start
scs
__scs_entry_jumppad:
0x0: {  	(pc) =	sbr.rel $0x88, $3  }
0x1: {  	(tag) =	ssettag $0x0;
	lr =	simm.s32 $0x1  }
0x2: {  	[smem:$0x3F95] =	sst lr;
	_ =	strace $0xD0000000  }
0x3: {  	_ = 	snop  }
0x4: {  	_ = 	snop  }
0x5: {  	_ = 	snop  }
0x6: {  	_ = 	snop  }
0x7: {  	_ = 	snop  }
__scs_overlays_trampoline_lowered:
0x8: {  	[smem:$0x3FA4] =	sst s0  }
0x9: {  	[smem:$0x3FA5] =	sst s1  }
0xa: {  	[smem:$0x3FA6] =	sst s2  }
0xb: {  	[smem:$0x3FA7] =	sst s3  }
0xc: {  	[smem:$0x3FA8] =	sst s4  }
0xd: {  	[smem:$0x3FA9] =	sst s5  }
0xe: {  	[smem:$0x3FAA] =	sst s6  }
0xf: {  	[smem:$0x3FAB] =	sst s7  }
0x10: {  	[smem:$0x3FAC] =	sst s8  }
0x11: {  	[smem:$0x3FAD] =	sst s9;
	s0 =	simm.s32 @!p0 $0x0  }
0x12: {  	s1 =	sld [smem:$0x3F93];
	s0 =	simm.s32 @p0 $0x1  }
0x13: {  	[smem:$0x3FAE] =	sst s0;
	s0 =	simm.s32 @!p1 $0x0  }
0x14: {  	s2 =	sld [smem:$0x3F92];
	s0 =	simm.s32 @p1 $0x1  }
0x15: {  	[smem:$0x3FAF] =	sst s0;
	s0 =	simm.s32 @!p2 $0x0  }
0x16: {  	s3 =	sld [smem:$0x3FDB];
	s0 =	simm.s32 @p2 $0x1  }
0x17: {  	s4 =	simm.s32 $0x1BF5;
	[smem:$0x3FB1] =	sst s0  }
0x18: {  	s0 =	sld [smem:$0x3F94];
	_ =	swait.ge [sflag:s4], $0x0  }
0x19: {  	s7 =	sld [smem:$0x3F95]  }
0x1a: {  	s8 =	sadd.s32 $0xFFFFE003, lr  }
0x1b: {  	s9 =	sadd.s32 $0xFFFFFEF7, lr;
	s5 =	simm.s32 $0xFFFFFFFF;
	p2 =	slt.u32 s8, $0xFFFFF086  }
0x1c: {  	p1 =	slt.u32 s9, $0xF7A;
	s5 =	simm.s32 @!p2 $0x0  }
0x1d: {  	s5 =	simm.s32 @p1 $0x1;
	p0 =	seq.s32 s7, s2  }
0x1e: {  	s7 =	smul.u32 @!p0 $0xF7A, s2;
	p2 =	seq.s32 @!p0 s5, $0x0  }
0x1f: {  	s9 =	smul.u32 $0xF7A, s1;
	s8 =	simm.s32 @!p0 $0x1BF5;
	p2 =	por !p2, p0  }
0x20: {  	[sflag:s8] =	ssyncset.s32 @!p0 $0xFFFFF086;
	s6 =	sadd.s32 @!p0 s3, s7;
	s7 =	simm.s32 @!p0 $0x108  }
0x21: {  	s3 =	sadd.s32 s3, s9;
	s6 =	sadd.s32 @!p0 $0x88, s6;
	s7 =	simm.s32 @p2 $0x1082  }
0x22: {  	[simem:s7], [sflag:s8] =	dma.local @!p0 [hbm:s6], $0xF7A  }
0x23: {  	s9 =	sor.u32 $0xD0000000, s2;
	s6 =	simm.s32 $0x108;
	_ =	swait.ge @!p0 [sflag:s8], $0x0  }
0x24: {  	s3 =	sadd.s32 $0x88, s3;
	s6 =	simm.s32 @!p1 $0x1082;
	[sflag:s4] =	ssyncset.s32 $0xFFFFF086  }
0x25: {  	[simem:s6], [sflag:s4] =	dma.local [hbm:s3], $0xF7A  }
0x26: {  	[smem:$0x3F95] =	sst s1;
	(tag) =	ssettag s2;
	_ =	strace s9  }
0x27: {  	s1 =	sld [smem:$0x3FA5]  }
0x28: {  	s2 =	sld [smem:$0x3FA6]  }
0x29: {  	s4 =	sld [smem:$0x3FA8]  }
0x2a: {  	p0 =	seq.s32 s5, $0x0;
	s5 =	sld [smem:$0x3FA9]  }
0x2b: {  	s6 =	sld [smem:$0x3FAA]  }
0x2c: {  	s7 =	sld [smem:$0x3FAB]  }
0x2d: {  	s3 =	simm.s32 $0x108;
	s8 =	sld [smem:$0x3FAC]  }
0x2e: {  	s3 =	simm.s32 @!p0 $0x1082;
	s9 =	sld [smem:$0x3FAD]  }
0x2f: {  	lr =	sadd.s32 s0, s3;
	s0 =	sld [smem:$0x3FA4]  }
0x30: {  	s3 =	sld [smem:$0x3FA7]  }
0x31: {  	[smem:$0x3FB0] =	sst s10  }
0x32: {  	s10 =	sld [smem:$0x3FAE];
	_ =	sdelay $0x3  }
0x33: {  	p0 =	seq.s32 s10, $0x1;
	s10 =	sld [smem:$0x3FB0];
	_ =	sdelay $0x3  }
0x34: {  	[smem:$0x3FB0] =	sst s10  }
0x35: {  	s10 =	sld [smem:$0x3FAF];
	_ =	sdelay $0x3  }
0x36: {  	p1 =	seq.s32 s10, $0x1;
	s10 =	sld [smem:$0x3FB0];
	_ =	sdelay $0x3  }
0x37: {  	[smem:$0x3FB0] =	sst s10  }
0x38: {  	s10 =	sld [smem:$0x3FB1]  }
0x39: {  	_ = 	snop;
	(pc) =	sbr.ind lr, $3  }
0x3a: {  	_ = 	snop  }
0x3b: {  	_ = 	snop  }
0x3c: {  	p2 =	seq.s32 s10, $0x1;
	s10 =	sld [smem:$0x3FB0]  }
0x3d: {  	_ =	shalt  }
0x3e: {  	_ =	shalt  }
0x3f: {  	_ =	shalt  }
0x40: {  	_ =	shalt  }
0x41: {  	_ =	shalt  }
0x42: {  	_ =	shalt  }
0x43: {  	_ =	shalt  }
0x44: {  	_ =	shalt  }
0x45: {  	_ =	shalt  }
0x46: {  	_ =	shalt  }
0x47: {  	_ =	shalt  }
0x48: {  	_ =	shalt  }
0x49: {  	_ =	shalt  }
0x4a: {  	_ =	shalt  }
0x4b: {  	_ =	shalt  }
0x4c: {  	_ =	shalt  }
0x4d: {  	_ =	shalt  }
0x4e: {  	_ =	shalt  }
0x4f: {  	_ =	shalt  }
0x50: {  	_ =	shalt  }
0x51: {  	_ =	shalt  }
0x52: {  	_ =	shalt  }
0x53: {  	_ =	shalt  }
0x54: {  	_ =	shalt  }
0x55: {  	_ =	shalt  }
0x56: {  	_ =	shalt  }
0x57: {  	_ =	shalt  }
0x58: {  	_ =	shalt  }
0x59: {  	_ =	shalt  }
0x5a: {  	_ =	shalt  }
0x5b: {  	_ =	shalt  }
0x5c: {  	_ =	shalt  }
0x5d: {  	_ =	shalt  }
0x5e: {  	_ =	shalt  }
0x5f: {  	_ =	shalt  }
0x60: {  	_ =	shalt  }
0x61: {  	_ =	shalt  }
0x62: {  	_ =	shalt  }
0x63: {  	_ =	shalt  }
0x64: {  	_ =	shalt  }
0x65: {  	_ =	shalt  }
0x66: {  	_ =	shalt  }
0x67: {  	_ =	shalt  }
0x68: {  	_ =	shalt  }
0x69: {  	_ =	shalt  }
0x6a: {  	_ =	shalt  }
0x6b: {  	_ =	shalt  }
0x6c: {  	_ =	shalt  }
0x6d: {  	_ =	shalt  }
0x6e: {  	_ =	shalt  }
0x6f: {  	_ =	shalt  }
0x70: {  	_ =	shalt  }
0x71: {  	_ =	shalt  }
0x72: {  	_ =	shalt  }
0x73: {  	_ =	shalt  }
0x74: {  	_ =	shalt  }
0x75: {  	_ =	shalt  }
0x76: {  	_ =	shalt  }
0x77: {  	_ =	shalt  }
0x78: {  	_ =	shalt  }
0x79: {  	_ =	shalt  }
0x7a: {  	_ =	shalt  }
0x7b: {  	_ =	shalt  }
0x7c: {  	_ =	shalt  }
0x7d: {  	_ =	shalt  }
0x7e: {  	_ =	shalt  }
0x7f: {  	_ =	shalt  }
0x80: {  	_ =	shalt  }
0x81: {  	_ =	shalt  }
0x82: {  	_ =	shalt  }
0x83: {  	_ =	shalt  }
0x84: {  	_ =	shalt  }
0x85: {  	_ =	shalt  }
0x86: {  	_ =	shalt  }
0x87: {  	_ =	shalt  }
.Lfunc_end0:
.L_simem_size_0:
called_computation.1_lowered:
.L_overlay_start_0:
0x88: {  	s2 =	sld [smem:$0x3FD9]  }
0x89: {  	s3 =	sld [smem:$0x3FFE];
	_ =	sdelay $0x1  }
0x8a: {  	s1 =	srdreg.scid  }
0x8b: {  	s0 =	sand.u32 $0x1, s1  }
0x8c: {  	s17 =	sshll.u32 s0, $0xA;
	s2 =	sadd.s32 s3, s2  }
0x8d: {  	s2 =	sadd.s32 s2, s17  }
0x8e: {  	[smem:$0x3FBC] =	sst s2  }
0x8f: {  	_ = 	snop  }
0x90: {  	s2 =	sld [smem:$0x3FD0];
	(tm) =	ssettm $0x1  }
0x91: {  	s18 =	sld [smem:$0x3FFB];
	_ =	sdelay $0x3  }
0x92: {  	_ =	strace s18  }
0x93: {  	s3 =	sld [smem:$0x3FFC];
	_ =	sdelay $0x3  }
0x94: {  	_ =	strace s3  }
0x95: {  	s3 =	sld [smem:$0x3FFD];
	_ =	sdelay $0x3  }
0x96: {  	_ =	strace s3  }
0x97: {  	_ =	strace $0x8FFFFFFF  }
0x98: {  	s19 =	sld [smem:$0x3FDB];
	_ =	sdelay $0x1  }
0x99: {  	s4 =	simm.s32 $_scs_section_size  }
0x9a: {  	s5 =	simm.s32 $_size__tile_overlayer_lowered;
	s6 =	simm.s32 $_tile_overlayer_lowered  }
0x9b: {  	s22 =	simm.s32 $0x1BFF;
	s21 =	sshll.u32 s6, $0x1;
	s3 =	sadd.s32 s4, s19  }
0x9c: {  	s7 =	simm.s32 $0x0;
	s20 =	sshll.u32 s5, $0x1;
	s5 =	sadd.s32 s21, s3  }
0x9d: {  	[timem:s7], [sflag:s22] =	dma.local [hbm:s5], s20  }
0x9e: {  	_ =	swait.ge [sflag:s22], s20  }
0x9f: {  	s4 =	ssub.s32 $0x0, s20;
	[sflag:s22] =	ssyncset.done $0x0  }
0xa0: {  	[sflag:s22] =	ssyncadd.s32 s4;
	_ =	sdelay $0x1  }
0xa1: {  	s23 =	simm.s32 $0x1B8B  }
0xa2: {  	_ =	swait.ge [sflag:s23], $0x1  }
0xa3: {  	[sflag:s23] =	ssyncset.done $0x0  }
0xa4: {  	s25 =	simm.s32 $0x1B8E;
	s24 =	sld [smem:$0x3FFE];
	[sflag:s23] =	ssyncadd.s32 $0xFFFFFFFF  }
0xa5: {  	s26 =	simm.s32 $execute0_lowered;
	[smem:$0x3FD2] =	sst s25  }
0xa6: {  	s5 =	sshll.u32 s26, $0x1;
	_ =	strace $0x80000049;
	[dreg:$0x1] =	wrdreg $0xFFFFFFFF  }
0xa7: {  	s28 =	simm.s32 $_size_execute0_lowered;
	s3 =	sadd.s32 s3, s5;
	[dreg:$0x0] =	wrdreg $0x0  }
0xa8: {  	s5 =	sshll.u32 s28, $0x1;
	[dreg:$0x2] =	wrdreg s3  }
0xa9: {  	[dreg:$0x3] =	wrdreg s5  }
0xaa: {  	[dreg:$0x4] =	wrdreg $0xC0  }
0xab: {  	_ =	task [dreg:s7], $0x5FFFF  }
0xac: {  	[dreg:$0x1] =	wrdreg $0xFFFFFFFF  }
0xad: {  	[dreg:$0x0] =	wrdreg $0x60  }
0xae: {  	[dreg:$0x2] =	wrdreg s24  }
0xaf: {  	[dreg:$0x3] =	wrdreg s2  }
0xb0: {  	[dreg:$0x4] =	wrdreg $0x0  }
0xb1: {  	[dreg:$0x5] =	wrdreg $0x140000  }
0xb2: {  	[dreg:$0x6] =	wrdreg $0x9  }
0xb3: {  	_ =	task.clear_ibuf [dreg:s7], $0x7FFFF;
	_ =	strace $0x90000049  }
0xb4: {  	s29 =	simm.s32 $0x9;
	_ =	strace $0x8000004B  }
0xb5: {  	_ =	swait.ge [sflag:s29], $0x1  }
0xb6: {  	[sflag:s29] =	ssyncadd.s32 $0xFFFFFFFF  }
0xb7: {  	_ =	strace $0x9000004B  }
0xb8: {  	_ =	sfence  }
0xb9: {  	s30 =	sld [smem:$0x0];
	_ =	sdelay $0x2  }
0xba: {  	s31 =	sshll.u32 s1, $0xD;
	s1 =	sshrl.u32 s1, $0x2  }
0xbb: {  	s3 =	sand.u32 $0x4000, s31;
	s1 =	sadd.s32 s1, s30  }
0xbc: {  	s0 =	sor.u32 s3, s0;
	s1 =	sshll.u32 s1, $0x11  }
0xbd: {  	s0 =	sor.u32 s1, s0  }
0xbe: {  	s0 =	sadd.s32 $0x8F2B, s0  }
0xbf: {  	[sflag:s0] =	ssyncadd.remote.s32 $0x1  }
0xc0: {  	_ =	sfence.sel $0xFFFF  }
0xc1: {  	[dreg:$0x0] =	wrdreg $0xFFFFFFFF;
	(pc) =	sbr.abs _section_cstart, $3  }
0xc2: {  	[dreg:$0x1] =	wrdreg $0xFFFFFFFF  }
0xc3: {  	_ =	task.clear_ibuf [dreg:s7], $0x2FFFF;
	_ =	strace $0x9FFFFFFF  }
0xc4: {  	(tm) =	ssettm $0x7FFFFFFF  }
0xc5: {  	_ =	shalt  }
tec
execute0_lowered:
.L_overlay_start_1:
0x0: {  	(tag) =	ssettag $0x1  }
0x1: {  	s1 =	rddreg [dreg:$0x0]  }
0x2: {  	s16 =	rddreg [dreg:$0x1]  }
0x3: {  	s2 =	rddreg [dreg:$0x2];
	s4 =	srdreg.scid  }
0x4: {  	s0 =	stileid.u32;
	s3 =	rddreg [dreg:$0x3]  }
0x5: {  	s9 =	sand.u32 $0x1, s4;
	s10 =	smul.u32 $0x280, s0;
	s4 =	simm.s32 $0x0  }
0x6: {  	s18 =	sadd.s32 $0xA1E000, s1;
	s17 =	sadd.s32 $0x2A00, s1;
	s12 =	smul.u32 $0x50000, s0  }
0x7: {  	s23 =	sadd.s32 $0xC800, s1;
	s6 =	sadd.s32 $0xF000, s1;
	s20 =	smul.u32 $0x9E, s0  }
0x8: {  	s24 =	sshll.u32 s0, $0x1;
	s28 =	sshll.u32 s0, $0x6;
	s5 =	smul.u32 $0x2800, s9  }
0x9: {  	[smem:$0x7FF] =	sst s4;
	s11 =	ssub.s32 $0x2, s9;
	s21 =	smul.u32 $0x4F, s9  }
0xa: {  	_ =	strace $0x8000004A;
	[dreg:$0x5] =	wrdreg s23;
	s14 =	sshrl.u32 s11, $0x1  }
0xb: {  	s26 =	sshrl.u32 s12, $0x2;
	s23 =	simm.s32 $0x0;
	s7 =	sadd.s32 s10, s5  }
0xc: {  	s19 =	ssub.s32 s11, s14;
	s20 =	sadd.s32 s21, s20;
	s8 =	sshll.u32 s7, $0x4  }
0xd: {  	s7 =	sshrl.u32 s7, $0x3;
	s29 =	sshll.u32 s20, $0x4;
	s30 =	sshll.u32 s20, $0xB  }
0xe: {  	s13 =	sadd.s32 s8, s1;
	s8 =	sor.u32 s9, s24;
	s1 =	sadd.s32 s7, s1  }
0xf: {  	s7 =	sadd.s32 s26, s2;
	s9 =	sadd.s32 s10, s3;
	s15 =	smul.u32 $0x27800, s8  }
0x10: {  	s31 =	sadd.s32 s30, s18;
	s25 =	smul.u32 $0x4F0, s8;
	s8 =	sor.u32 $0x1C03, s28  }
0x11: {  	s13 =	sadd.s32 $0xF200, s13;
	s14 =	sadd.s32 $0x5F200, s1;
	s1 =	sadd.s32 s29, s16  }
0x12: {  	s10 =	sadd.s32 s18, s15;
	s11 =	sadd.s32 s17, s25;
	s12 =	sadd.s32 s16, s25  }
0x13: {  	s15 =	smax.u32 s19, $0x1;
	s17 =	sadd.s32 s29, s17;
	s18 =	sadd.s32 $0x800, s31  }
0x14: {  	s19 =	simm.s32 $0x3;
	s16 =	sadd.s32 $0x10, s17;
	s17 =	sadd.s32 $0x10, s1  }
.LBB2_1:
0x15: {  	s24 =	sshrl.u32 s7, $0x3;
	s0 =	rddreg [dreg:$0x5]  }
0x16: {  	[spmem:s24], [sflag:s8] =	dma.local [hbm:s0], $0x2800  }
0x17: {  	_ =	swait.ge [sflag:s19], $0x2800  }
0x18: {  	[sflag:s19] =	ssyncset.done $0x0  }
0x19: {  	s25 =	sshrl.u32 s9, $0x3;
	[sflag:s19] =	ssyncadd.s32 $0xFFFFD800  }
0x1a: {  	[spmem:s25], [sflag:s8] =	dma.local [hbm:s6], $0x50  }
0x1b: {  	_ =	swait.ge [sflag:s19], $0x50  }
0x1c: {  	[sflag:s19] =	ssyncset.done $0x0  }
0x1d: {  	[sflag:s19] =	ssyncadd.s32 $0xFFFFFFB0  }
0x1e: {  	s21 =	simm.s32 $0x14380;
	s1 =	simm.s32 $0x1;
	[bflag:$0x0] =	sbarrier.arrive $0xFFFF  }
0x1f: {  	[tilespmem:s21], [sflag:$0x1] =	stream.linear.gather [hbm4b:s10+s4], $0x4000, $0x38;
	[tilespmem:$0x1C480] =	vst v63  }
0x20: {  	s22 =	simm.s32 $0x1C380;
	s1 =	sand.u32 $0x1, s1  }
0x21: {  	[tilespmem:s22], [sflag:$0x1] =	stream.linear.gather [hbm4b:s11+s4], $0x80, $0x38;
	[tilespmem:$0x1C480] =	vst v63  }
0x22: {  	s26 =	simm.s32 $0x14280;
	p0 =	seq.s32 s1, $0x0  }
0x23: {  	[tilespmem:s26], [sflag:$0x1] =	stream.linear.gather [hbm4b:s12+s4], $0x80, $0x38;
	[tilespmem:$0x1C480] =	vst v63  }
0x24: {  	s1 =	simm.s32 @p0 $0x0;
	s26 =	simm.s32 @p0 $0x14380  }
0x25: {  	[tilespmem:s26], [sflag:$0x1] =	stream.linear.gather @p0 [hbm4b:s18+s1], $0x4000, $0x38;
	[tilespmem:$0x1C480] =	vst v63  }
0x26: {  	s26 =	simm.s32 @p0 $0x1C380  }
0x27: {  	[tilespmem:s26], [sflag:$0x1] =	stream.linear.gather @p0 [hbm4b:s16+s1], $0x80, $0x38;
	[tilespmem:$0x1C480] =	vst v63  }
0x28: {  	s28 =	simm.s32 @p0 $0x2;
	s26 =	simm.s32 @p0 $0x14280  }
0x29: {  	[tilespmem:s26], [sflag:$0x1] =	stream.linear.gather @p0 [hbm4b:s17+s1], $0x80, $0x38;
	[tilespmem:$0x1C480] =	vst v63  }
0x2a: {  	_ =	swait.ge @p0 [sflag:s28], $0x4000  }
0x2b: {  	[sflag:s28] =	ssyncset.done @p0 $0x0  }
0x2c: {  	[sflag:s28] =	ssyncadd.s32 @p0 $0xFFFFC000  }
0x2d: {  	_ =	swait.ge @p0 [sflag:s28], $0x80  }
0x2e: {  	[sflag:s28] =	ssyncset.done @p0 $0x0  }
0x2f: {  	[sflag:s28] =	ssyncadd.s32 @p0 $0xFFFFFF80  }
0x30: {  	_ =	swait.ge @p0 [sflag:s28], $0x80  }
0x31: {  	s29 =	simm.s32 @p0 $0x80;
	s30 =	simm.s32 @p0 $0x14300;
	[sflag:s28] =	ssyncset.done @p0 $0x0  }
0x32: {  	s1 =	simm.s32 @p0 $0x18380;
	s26 =	simm.s32 @p0 $0x4;
	[sflag:s28] =	ssyncadd.s32 @p0 $0xFFFFFF80  }
0x33: {  	[spmem:s2] =	stream.indirect.scatter.add.f32 @p0 [tilespmem:s1], [sflag:$0x4], $0x80, s30, s29, $0xb8;
	[tilespmem:$0x1C480] =	vst v63  }
0x34: {  	_ =	swait.ge @p0 [sflag:s26], $0x4000  }
0x35: {  	p1 =	por @!p0 $0x0, $0x0;
	[sflag:s26] =	ssyncset.done @p0 $0x0  }
0x36: {  	p1 =	por p1, p0;
	s1 =	simm.s32 @p0 $0x1C400;
	[sflag:s26] =	ssyncadd.s32 @p0 $0xFFFFC000  }
0x37: {  	[spmem:s3] =	stream.indirect.scatter.add.f32 @p0 [tilespmem:s1], [sflag:$0x3], $0x1, s30, s29, $0xb8;
	[tilespmem:$0x1C480] =	vst v63  }
0x38: {  	s26 =	simm.s32 @!p1 $0x18380;
	s1 =	simm.s32 @!p1 $0x0  }
0x39: {  	[tilespmem:s26], [sflag:$0x2] =	stream.linear.gather @!p1 [hbm4b:s18+s1], $0x4000, $0x38;
	[tilespmem:$0x1C480] =	vst v63  }
0x3a: {  	s26 =	simm.s32 @!p1 $0x1C400  }
0x3b: {  	[tilespmem:s26], [sflag:$0x2] =	stream.linear.gather @!p1 [hbm4b:s16+s1], $0x80, $0x38;
	[tilespmem:$0x1C480] =	vst v63  }
0x3c: {  	s28 =	simm.s32 @!p0 $0x1;
	s26 =	simm.s32 @!p1 $0x14300  }
0x3d: {  	[tilespmem:s26], [sflag:$0x2] =	stream.linear.gather @!p1 [hbm4b:s17+s1], $0x80, $0x38;
	[tilespmem:$0x1C480] =	vst v63  }
0x3e: {  	_ =	swait.ge @!p0 [sflag:s28], $0x4000  }
0x3f: {  	[sflag:s28] =	ssyncset.done @!p0 $0x0  }
0x40: {  	[sflag:s28] =	ssyncadd.s32 @!p0 $0xFFFFC000  }
0x41: {  	_ =	swait.ge @!p0 [sflag:s28], $0x80  }
0x42: {  	[sflag:s28] =	ssyncset.done @!p0 $0x0  }
0x43: {  	[sflag:s28] =	ssyncadd.s32 @!p0 $0xFFFFFF80  }
0x44: {  	_ =	swait.ge @!p0 [sflag:s28], $0x80  }
0x45: {  	s29 =	simm.s32 @!p0 $0x80;
	s30 =	simm.s32 @!p0 $0x14280;
	[sflag:s28] =	ssyncset.done @!p0 $0x0  }
0x46: {  	s26 =	simm.s32 @!p0 $0x14380;
	s1 =	simm.s32 @!p0 $0x4;
	[sflag:s28] =	ssyncadd.s32 @!p0 $0xFFFFFF80  }
0x47: {  	[spmem:s2] =	stream.indirect.scatter.add.f32 @!p0 [tilespmem:s26], [sflag:$0x4], $0x80, s30, s29, $0xb8;
	[tilespmem:$0x1C480] =	vst v63  }
0x48: {  	_ =	swait.ge @!p0 [sflag:s1], $0x4000  }
0x49: {  	[sflag:s1] =	ssyncset.done @!p0 $0x0  }
0x4a: {  	s26 =	simm.s32 @!p0 $0x1C380;
	[sflag:s1] =	ssyncadd.s32 @!p0 $0xFFFFC000  }
0x4b: {  	[spmem:s3] =	stream.indirect.scatter.add.f32 @!p0 [tilespmem:s26], [sflag:$0x4], $0x1, s30, s29, $0xb8;
	[tilespmem:$0x1C480] =	vst v63  }
0x4c: {  	s31 =	simm.s32 $0x3;
	s28 =	sadd.s32 $0x800, s18;
	s30 =	simm.s32 $0x2  }
0x4d: {  	s1 =	simm.s32 @p0 $0x3;
	s26 =	sadd.s32 $0x10, s17;
	s29 =	sand.u32 $0x1, s30  }
0x4e: {  	_ =	swait.ge [sflag:s1], $0x80;
	p0 =	seq.s32 s29, $0x0;
	s29 =	sadd.s32 $0x10, s16  }
.LBB2_2:
0x4f: {  	s0 =	simm.s32 @p0 $0x0;
	s20 =	simm.s32 @p0 $0x14380;
	[sflag:s1] =	ssyncset.done $0x0  }
0x50: {  	[sflag:s1] =	ssyncadd.s32 $0xFFFFFF80;
	s1 =	smov.u32 s31;
	s31 =	sadd.s32 $0x1, s31  }
0x51: {  	[tilespmem:s20], [sflag:$0x1] =	stream.linear.gather @p0 [hbm4b:s28+s0], $0x4000, $0x38;
	[tilespmem:$0x1C480] =	vst v63  }
0x52: {  	p1 =	sne.s32 s31, $0x50;
	s20 =	simm.s32 @p0 $0x1C380  }
0x53: {  	[tilespmem:s20], [sflag:$0x1] =	stream.linear.gather @p0 [hbm4b:s29+s0], $0x80, $0x38;
	[tilespmem:$0x1C480] =	vst v63  }
0x54: {  	s21 =	simm.s32 @p0 $0x2;
	s20 =	simm.s32 @p0 $0x14280  }
0x55: {  	[tilespmem:s20], [sflag:$0x1] =	stream.linear.gather @p0 [hbm4b:s26+s0], $0x80, $0x38;
	[tilespmem:$0x1C480] =	vst v63  }
0x56: {  	_ =	swait.ge @p0 [sflag:s21], $0x4000  }
0x57: {  	[sflag:s21] =	ssyncset.done @p0 $0x0  }
0x58: {  	[sflag:s21] =	ssyncadd.s32 @p0 $0xFFFFC000  }
0x59: {  	_ =	swait.ge @p0 [sflag:s21], $0x80  }
0x5a: {  	[sflag:s21] =	ssyncset.done @p0 $0x0  }
0x5b: {  	[sflag:s21] =	ssyncadd.s32 @p0 $0xFFFFFF80  }
0x5c: {  	s0 =	simm.s32 @p0 $0x18380;
	s20 =	simm.s32 @p0 $0x4;
	_ =	swait.ge @p0 [sflag:s21], $0x80  }
0x5d: {  	s22 =	simm.s32 @p0 $0x80;
	s5 =	simm.s32 @p0 $0x14300;
	[sflag:s21] =	ssyncset.done @p0 $0x0  }
0x5e: {  	[sflag:s21] =	ssyncadd.s32 @p0 $0xFFFFFF80  }
0x5f: {  	[spmem:s2] =	stream.indirect.scatter.add.f32 @p0 [tilespmem:s0], [sflag:$0x4], $0x80, s5, s22, $0xb8;
	[tilespmem:$0x1C480] =	vst v63  }
0x60: {  	_ =	swait.ge @p0 [sflag:s20], $0x4000  }
0x61: {  	p2 =	sgt.u32 @!p0 s30, $0x4E;
	s0 =	simm.s32 @p0 $0x1C400;
	[sflag:s20] =	ssyncset.done @p0 $0x0  }
0x62: {  	p2 =	por p2, p0;
	s30 =	smov.u32 s1;
	[sflag:s20] =	ssyncadd.s32 @p0 $0xFFFFC000  }
0x63: {  	[spmem:s3] =	stream.indirect.scatter.add.f32 @p0 [tilespmem:s0], [sflag:$0x3], $0x1, s5, s22, $0xb8;
	[tilespmem:$0x1C480] =	vst v63  }
0x64: {  	s1 =	simm.s32 @!p2 $0x18380;
	s0 =	simm.s32 @!p2 $0x0;
	s5 =	simm.s32 @!p2 $0x1C400  }
0x65: {  	[tilespmem:s1], [sflag:$0x2] =	stream.linear.gather @!p2 [hbm4b:s28+s0], $0x4000, $0x38;
	[tilespmem:$0x1C480] =	vst v63  }
0x66: {  	s1 =	simm.s32 @!p2 $0x14300  }
0x67: {  	[tilespmem:s5], [sflag:$0x2] =	stream.linear.gather @!p2 [hbm4b:s29+s0], $0x80, $0x38;
	[tilespmem:$0x1C480] =	vst v63  }
0x68: {  	s5 =	simm.s32 @!p0 $0x1  }
0x69: {  	[tilespmem:s1], [sflag:$0x2] =	stream.linear.gather @!p2 [hbm4b:s26+s0], $0x80, $0x38;
	[tilespmem:$0x1C480] =	vst v63  }
0x6a: {  	_ =	swait.ge @!p0 [sflag:s5], $0x4000  }
0x6b: {  	[sflag:s5] =	ssyncset.done @!p0 $0x0  }
0x6c: {  	[sflag:s5] =	ssyncadd.s32 @!p0 $0xFFFFC000  }
0x6d: {  	_ =	swait.ge @!p0 [sflag:s5], $0x80  }
0x6e: {  	[sflag:s5] =	ssyncset.done @!p0 $0x0  }
0x6f: {  	[sflag:s5] =	ssyncadd.s32 @!p0 $0xFFFFFF80  }
0x70: {  	s0 =	simm.s32 @!p0 $0x14380;
	_ =	swait.ge @!p0 [sflag:s5], $0x80  }
0x71: {  	s21 =	simm.s32 @!p0 $0x14280;
	s20 =	simm.s32 @!p0 $0x80;
	[sflag:s5] =	ssyncset.done @!p0 $0x0  }
0x72: {  	s1 =	simm.s32 @!p0 $0x4;
	[sflag:s5] =	ssyncadd.s32 @!p0 $0xFFFFFF80  }
0x73: {  	[spmem:s2] =	stream.indirect.scatter.add.f32 @!p0 [tilespmem:s0], [sflag:$0x4], $0x80, s21, s20, $0xb8;
	[tilespmem:$0x1C480] =	vst v63  }
.Ltmp0:
0x74: {  	s28 =	sadd.s32 $0x800, s28;
	_ =	swait.ge @!p0 [sflag:s1], $0x4000;
	(pc) =	sbr.rel @p1 .LBB2_2-.Ltmp0, $4  }
0x75: {  	s26 =	sadd.s32 $0x10, s26;
	s0 =	simm.s32 @!p0 $0x1C380;
	[sflag:s1] =	ssyncset.done @!p0 $0x0  }
0x76: {  	s5 =	sand.u32 $0x1, s30;
	[sflag:s1] =	ssyncadd.s32 @!p0 $0xFFFFC000;
	s1 =	simm.s32 @p0 $0x3  }
0x77: {  	[spmem:s3] =	stream.indirect.scatter.add.f32 @!p0 [tilespmem:s0], [sflag:$0x4], $0x1, s21, s20, $0xb8;
	[tilespmem:$0x1C480] =	vst v63  }
0x78: {  	s29 =	sadd.s32 $0x10, s29;
	p0 =	seq.s32 s5, $0x0;
	_ =	swait.ge [sflag:s1], $0x80  }
0x79: {  	[sflag:s1] =	ssyncset.done $0x0  }
0x7a: {  	s0 =	simm.s32 @p0 $0x0;
	s5 =	simm.s32 @p0 $0x14380;
	[sflag:s1] =	ssyncadd.s32 $0xFFFFFF80  }
0x7b: {  	[tilespmem:s5], [sflag:$0x1] =	stream.linear.gather @p0 [hbm4b:s28+s0], $0x4000, $0x38;
	[tilespmem:$0x1C480] =	vst v63  }
0x7c: {  	s1 =	simm.s32 @p0 $0x1C380  }
0x7d: {  	[tilespmem:s1], [sflag:$0x1] =	stream.linear.gather @p0 [hbm4b:s29+s0], $0x80, $0x38;
	[tilespmem:$0x1C480] =	vst v63  }
0x7e: {  	s5 =	simm.s32 @p0 $0x2;
	s1 =	simm.s32 @p0 $0x14280  }
0x7f: {  	[tilespmem:s1], [sflag:$0x1] =	stream.linear.gather @p0 [hbm4b:s26+s0], $0x80, $0x38;
	[tilespmem:$0x1C480] =	vst v63  }
0x80: {  	_ =	swait.ge @p0 [sflag:s5], $0x4000  }
0x81: {  	[sflag:s5] =	ssyncset.done @p0 $0x0  }
0x82: {  	[sflag:s5] =	ssyncadd.s32 @p0 $0xFFFFC000  }
0x83: {  	_ =	swait.ge @p0 [sflag:s5], $0x80  }
0x84: {  	[sflag:s5] =	ssyncset.done @p0 $0x0  }
0x85: {  	[sflag:s5] =	ssyncadd.s32 @p0 $0xFFFFFF80  }
0x86: {  	_ =	swait.ge @p0 [sflag:s5], $0x80  }
0x87: {  	s20 =	simm.s32 @p0 $0x80;
	s21 =	simm.s32 @p0 $0x14300;
	[sflag:s5] =	ssyncset.done @p0 $0x0  }
0x88: {  	s0 =	simm.s32 @p0 $0x18380;
	s1 =	simm.s32 @p0 $0x4;
	[sflag:s5] =	ssyncadd.s32 @p0 $0xFFFFFF80  }
0x89: {  	[spmem:s2] =	stream.indirect.scatter.add.f32 @p0 [tilespmem:s0], [sflag:$0x4], $0x80, s21, s20, $0xb8;
	[tilespmem:$0x1C480] =	vst v63  }
0x8a: {  	_ =	swait.ge @p0 [sflag:s1], $0x4000  }
0x8b: {  	p1 =	sgt.u32 @!p0 s30, $0x4E;
	[sflag:s1] =	ssyncset.done @p0 $0x0  }
0x8c: {  	p1 =	por p1, p0;
	s0 =	simm.s32 @p0 $0x1C400;
	[sflag:s1] =	ssyncadd.s32 @p0 $0xFFFFC000  }
0x8d: {  	[spmem:s3] =	stream.indirect.scatter.add.f32 @p0 [tilespmem:s0], [sflag:$0x3], $0x1, s21, s20, $0xb8;
	[tilespmem:$0x1C480] =	vst v63  }
0x8e: {  	s1 =	simm.s32 @!p1 $0x18380;
	s0 =	simm.s32 @!p1 $0x0  }
0x8f: {  	[tilespmem:s1], [sflag:$0x2] =	stream.linear.gather @!p1 [hbm4b:s28+s0], $0x4000, $0x38;
	[tilespmem:$0x1C480] =	vst v63  }
0x90: {  	s1 =	simm.s32 @!p1 $0x1C400  }
0x91: {  	[tilespmem:s1], [sflag:$0x2] =	stream.linear.gather @!p1 [hbm4b:s29+s0], $0x80, $0x38;
	[tilespmem:$0x1C480] =	vst v63  }
0x92: {  	s5 =	simm.s32 @!p0 $0x1;
	s1 =	simm.s32 @!p1 $0x14300  }
0x93: {  	[tilespmem:s1], [sflag:$0x2] =	stream.linear.gather @!p1 [hbm4b:s26+s0], $0x80, $0x38;
	[tilespmem:$0x1C480] =	vst v63  }
0x94: {  	_ =	swait.ge @!p0 [sflag:s5], $0x4000  }
0x95: {  	[sflag:s5] =	ssyncset.done @!p0 $0x0  }
0x96: {  	[sflag:s5] =	ssyncadd.s32 @!p0 $0xFFFFC000  }
0x97: {  	_ =	swait.ge @!p0 [sflag:s5], $0x80  }
0x98: {  	[sflag:s5] =	ssyncset.done @!p0 $0x0  }
0x99: {  	[sflag:s5] =	ssyncadd.s32 @!p0 $0xFFFFFF80  }
0x9a: {  	_ =	swait.ge @!p0 [sflag:s5], $0x80  }
0x9b: {  	s20 =	simm.s32 @!p0 $0x14280;
	s0 =	simm.s32 @!p0 $0x14380;
	[sflag:s5] =	ssyncset.done @!p0 $0x0  }
0x9c: {  	s1 =	simm.s32 @!p0 $0x80;
	[sflag:s5] =	ssyncadd.s32 @!p0 $0xFFFFFF80;
	s5 =	simm.s32 @!p0 $0x4  }
0x9d: {  	[spmem:s2] =	stream.indirect.scatter.add.f32 @!p0 [tilespmem:s0], [sflag:$0x4], $0x80, s20, s1, $0xb8;
	[tilespmem:$0x1C480] =	vst v63  }
0x9e: {  	_ =	swait.ge @!p0 [sflag:s5], $0x4000  }
0x9f: {  	[sflag:s5] =	ssyncset.done @!p0 $0x0  }
0xa0: {  	s0 =	simm.s32 @!p0 $0x1C380;
	[sflag:s5] =	ssyncadd.s32 @!p0 $0xFFFFC000;
	s5 =	simm.s32 @p0 $0x3  }
0xa1: {  	[spmem:s3] =	stream.indirect.scatter.add.f32 @!p0 [tilespmem:s0], [sflag:$0x4], $0x1, s20, s1, $0xb8;
	[tilespmem:$0x1C480] =	vst v63  }
0xa2: {  	_ =	swait.ge [sflag:s5], $0x80  }
0xa3: {  	[sflag:s5] =	ssyncset.done $0x0  }
0xa4: {  	[sflag:s5] =	ssyncadd.s32 $0xFFFFFF80  }
0xa5: {  	[bflag:$0x0] =	sbarrier.arrive $0xFFFF  }
0xa6: {  	[hbm:s13], [sflag:s8] =	dma.local [spmem:s24], $0x2800  }
0xa7: {  	s23 =	sadd.s32 $0x1, s23;
	_ =	swait.ge [sflag:s19], $0x2800  }
0xa8: {  	p0 =	sne.s32 s23, s15;
	[sflag:s19] =	ssyncset.done $0x0  }
.Ltmp1:
0xa9: {  	[sflag:s19] =	ssyncadd.s32 $0xFFFFD800;
	(pc) =	sbr.rel @p0 .LBB2_1-.Ltmp1, $4  }
0xaa: {  	[hbm:s14], [sflag:s8] =	dma.local [spmem:s25], $0x50  }
0xab: {  	_ =	swait.ge [sflag:s19], $0x50  }
0xac: {  	[sflag:s19] =	ssyncset.done $0x0  }
0xad: {  	[sflag:s19] =	ssyncadd.s32 $0xFFFFFFB0  }
0xae: {  	_ =	sfence.sel $0x180000  }
0xaf: {  	[bflag:$0x0] =	sbarrier.arrive $0xFFFF  }
0xb0: {  	_ =	strace $0x9000004A  }
0xb1: {  	s0 =	stileid.u32;
	[bflag:$0x2] =	sbarrier.arrive $0xFFFF  }
0xb2: {  	p0 =	sne.s32 s0, $0x0;
	s0 =	rddreg [dreg:$0x4]  }
0xb3: {  	s0 =	sadd.s32 @!p0 $0x100000, s0  }
0xb4: {  	[sflag:s0] =	ssyncadd.tile.s32 @!p0 $0x1;
	_ =	shalt  }
.Lfunc_end2:
_tile_overlayer_lowered:
.L_overlay_start_2:
0xb5: {  	(tag) =	ssettag $0x2  }
0xb6: {  	s0 =	rddreg [dreg:$0x0];
	s2 =	stileid.u32  }
0xb7: {  	s1 =	rddreg [dreg:$0x1];
	p0 =	sne.s32 s2, $0x0  }
0xb8: {  	s3 =	rddreg [dreg:$0x2];
	[bflag:$0x3] =	sbarrier.arrive $0xFFFF;
	s2 =	simm.s32 @!p0 $0x1C03  }
0xb9: {  	[timem:s3], [sflag:s2] =	dma.local @!p0 [hbm:s0], s1  }
0xba: {  	s0 =	simm.s32 @!p0 $0x3  }
0xbb: {  	_ =	swait.ge @!p0 [sflag:s0], s1  }
0xbc: {  	s1 =	ssub.s32 @!p0 $0x0, s1;
	[sflag:s0] =	ssyncset.done @!p0 $0x0  }
0xbd: {  	[sflag:s0] =	ssyncadd.s32 @!p0 s1  }
0xbe: {  	[bflag:$0x3] =	sbarrier.arrive $0xFFFF  }
0xbf: {  	_ =	shalt  }

</sc_bundles>
